<compile_context>
chip_gen: v7x
topology: tpu7x:2x2x1
jax: 0.10.2.dev20260603
libtpu: 0.0.44.dev20260713+nightly
codegen_flags: <defaults>
</compile_context>

<pallas_src>
import math

import numpy as np
import jax
import jax.numpy as jnp
from jax import lax
from jax.experimental import pallas as pl
from jax.experimental.pallas import tpu as pltpu
from jax.experimental.pallas import tpu_sc as plsc

D_MODEL = 128
SEQ_LEN = 200
SCALE = math.sqrt(float(D_MODEL))
CHUNK = 80
NBUF = 4
PREF = 2
NUM_WORKERS = 32
TOTAL_ROWS = 4096 * SEQ_LEN
CHUNKS_TOTAL = TOTAL_ROWS // CHUNK
CHUNKS_PER_WORKER = CHUNKS_TOTAL // NUM_WORKERS
PE_ROWS = 240
LANES = 16


def _make_pe_const() -> np.ndarray:
    position = np.arange(0, SEQ_LEN, dtype=np.float32)[:, None]
    div_term = np.exp(
        np.arange(0, D_MODEL, 2, dtype=np.float32) * -(math.log(10000.0) / D_MODEL)
    )
    pe = np.zeros((SEQ_LEN, D_MODEL), dtype=np.float32)
    pe[:, 0::2] = np.sin(position * div_term)
    pe[:, 1::2] = np.cos(position * div_term)
    return np.concatenate([pe, pe], axis=0)[:PE_ROWS]


_PE2 = _make_pe_const()


def _sc_body(lut_hbm, idx_hbm, pe_hbm, out_hbm, idx_v, pe_v, rows_v, gsems, osems):
    core = lax.axis_index("c")
    sub = lax.axis_index("s")
    wid = sub * 2 + core
    chunk_base = wid * CHUNKS_PER_WORKER

    pltpu.sync_copy(pe_hbm, pe_v)
    pltpu.sync_copy(idx_hbm.at[pl.ds(chunk_base, CHUNKS_PER_WORKER)], idx_v)

    def start_gather(c, b):
        pltpu.async_copy(lut_hbm.at[idx_v.at[c]], rows_v.at[b], gsems[b])

    def wait_gather(b):
        pltpu.make_async_copy(
            out_hbm.at[pl.ds(0, CHUNK)], rows_v.at[b], gsems[b]
        ).wait()

    def start_store(c, b):
        pltpu.async_copy(
            rows_v.at[b], out_hbm.at[pl.ds((chunk_base + c) * CHUNK, CHUNK)],
            osems[b],
        )

    def wait_store(b):
        pltpu.make_async_copy(
            rows_v.at[b], out_hbm.at[pl.ds(0, CHUNK)], osems[b]
        ).wait()

    for b in range(PREF):
        start_gather(b, b % NBUF)

    def group_body(g, carry):
        for b in range(NBUF):
            c = g * NBUF + b
            wait_gather(b)

            def row_body(r, rc):
                pr = (c * CHUNK) % SEQ_LEN + r
                for j in range(D_MODEL // LANES):
                    sl = pl.ds(j * LANES, LANES)
                    rows_v[b, r, sl] = rows_v[b, r, sl] * SCALE + pe_v[pr, sl]
                return rc

            lax.fori_loop(0, CHUNK, row_body, 0)
            start_store(c, b)

            pc = c + PREF
            pb = (b + PREF) % NBUF

            @pl.when(pc < CHUNKS_PER_WORKER)
            def _prefetch():
                @pl.when(pc - NBUF >= 0)
                def _drain():
                    wait_store(pb)

                start_gather(pc, pb)

        return carry

    lax.fori_loop(0, CHUNKS_PER_WORKER // NBUF, group_body, 0)

    for b in range(NBUF):
        wait_store(b)


@jax.jit
def _sc_call(lut, idx2d, pe):
    mesh = plsc.VectorSubcoreMesh(core_axis_name="c", subcore_axis_name="s")
    return pl.kernel(
        _sc_body,
        out_type=jax.ShapeDtypeStruct((TOTAL_ROWS, D_MODEL), jnp.float32),
        mesh=mesh,
        scratch_types=[
            pltpu.VMEM((CHUNKS_PER_WORKER, CHUNK), jnp.int32),
            pltpu.VMEM((PE_ROWS, D_MODEL), jnp.float32),
            pltpu.VMEM((NBUF, CHUNK, D_MODEL), jnp.float32),
            [pltpu.SemaphoreType.DMA] * NBUF,
            [pltpu.SemaphoreType.DMA] * NBUF,
        ],
    )(lut, idx2d, pe)


def kernel(x, lut):
    idx2d = jnp.reshape(x.astype(jnp.int32), (CHUNKS_TOTAL, CHUNK))
    out = _sc_call(lut, idx2d, jnp.asarray(_PE2))
    return jnp.reshape(out, (x.shape[0], SEQ_LEN, D_MODEL))

# --- scband reference (transcript-rebuilt; emitter-appended) ---
"""Pipeline reference for scband-pos-embeddings-26491358282012 (READ-ONLY COPY).

The authoritative reference and input builder live on the scoring server;
editing this copy changes nothing except your own understanding.
"""

import jax, jax.numpy as jnp
import numpy as np
import math

D_MODEL = 128
VOCAB = 1000000
MAX_LEN = 5000

def _make_pe(max_len, d_model):
    position = np.arange(0, max_len, dtype=np.float32)[:, None]
    div_term = np.exp(np.arange(0, d_model, 2, dtype=np.float32) * -(math.log(10000.0) / d_model))
    pe = np.zeros((max_len, d_model), dtype=np.float32)
    pe[:, 0::2] = np.sin(position * div_term)
    pe[:, 1::2] = np.cos(position * div_term)
    return jnp.asarray(pe)

def setup_inputs(seed: int = 0) -> dict:
    key = jax.random.key(seed)
    k1, k2 = jax.random.split(key)
    x = jax.random.randint(k1, (4096, 200), 0, VOCAB, dtype=jnp.int64 if jax.config.jax_enable_x64 else jnp.int32)
    lut = jax.random.normal(k2, (VOCAB, D_MODEL), dtype=jnp.float32) * 0.02
    # padding_idx=0: zero out row 0
    lut = lut.at[0].set(0.0)
    return {"x": x, "lut": lut}

def reference(x, lut):
    # Pos_embeddings.forward: pos(lut(x) * sqrt(d_model))
    emb = jnp.take(lut, x, axis=0) * math.sqrt(D_MODEL)
    L = x.shape[-1]
    pe = _make_pe(MAX_LEN, D_MODEL)
    out = emb + pe[None, :L, :]
    # Dropout(p=0.1) acts as identity in eval mode
    return out

if __name__ == "__main__":
    import jax
    _d = setup_inputs()
    print(jax.jit(kernel)(*tuple(_d.values())))

</pallas_src>

<mosaic_0001>
#map = affine_map<(d0, d1) -> (0, 0)>
module attributes {stable_mosaic.version = 14 : i64} {
  func.func @_sc_body(%arg0: i32, %arg1: i32, %arg2: memref<1000000x128xf32, #tpu.memory_space<hbm>>, %arg3: memref<10240x80xi32, #tpu.memory_space<hbm>>, %arg4: memref<240x128xf32, #tpu.memory_space<hbm>>, %arg5: memref<819200x128xf32, #tpu.memory_space<hbm>>, %arg6: memref<320x80xi32, #tpu.memory_space<vmem>>, %arg7: memref<240x128xf32, #tpu.memory_space<vmem>>, %arg8: memref<4x80x128xf32, #tpu.memory_space<vmem>>, %arg9: memref<!tpu.dma_semaphore, #tpu.memory_space<semaphore_mem>>, %arg10: memref<!tpu.dma_semaphore, #tpu.memory_space<semaphore_mem>>, %arg11: memref<!tpu.dma_semaphore, #tpu.memory_space<semaphore_mem>>, %arg12: memref<!tpu.dma_semaphore, #tpu.memory_space<semaphore_mem>>, %arg13: memref<!tpu.dma_semaphore, #tpu.memory_space<semaphore_mem>>, %arg14: memref<!tpu.dma_semaphore, #tpu.memory_space<semaphore_mem>>, %arg15: memref<!tpu.dma_semaphore, #tpu.memory_space<semaphore_mem>>, %arg16: memref<!tpu.dma_semaphore, #tpu.memory_space<semaphore_mem>>) attributes {dimension_semantics = [#tpu.dimension_semantics<core_parallel>, #tpu.dimension_semantics<subcore_parallel>], iteration_bounds = array<i64: 2, 16>, scalar_prefetch = 0 : i64, scratch_operands = 11 : i64, tpu.core_type = #tpu.core_type<sc_vector_subcore>, window_params = [{transform_indices = #map}, {transform_indices = #map}, {transform_indices = #map}, {transform_indices = #map}]} {
    %mul3A = arith.constant 2 : i32
    %mul3A_0 = arith.muli %arg1, %mul3A : i32
    %add3A = arith.addi %mul3A_0, %arg0 : i32
    %mul3A_1 = arith.constant 320 : i32
    %mul3A_2 = arith.muli %add3A, %mul3A_1 : i32
    "tpu.region"() ({
      %run_scoped3A = tpu.sem_alloc : memref<!tpu.dma_semaphore, #tpu.memory_space<semaphore_mem>>
      tpu.enqueue_dma source(%arg4 : memref<240x128xf32, #tpu.memory_space<hbm>>) target(%arg7 : memref<240x128xf32, #tpu.memory_space<vmem>>) target_semaphore(%run_scoped3A : memref<!tpu.dma_semaphore, #tpu.memory_space<semaphore_mem>>)
      tpu.wait_dma2 semaphore(%run_scoped3A : memref<!tpu.dma_semaphore, #tpu.memory_space<semaphore_mem>>) src(%arg4 : memref<240x128xf32, #tpu.memory_space<hbm>>) dst(%arg7 : memref<240x128xf32, #tpu.memory_space<vmem>>)
      tpu.yield
    }) : () -> ()
    "tpu.region"() ({
      %run_scoped3A = tpu.sem_alloc : memref<!tpu.dma_semaphore, #tpu.memory_space<semaphore_mem>>
      %dma_start3A_90 = arith.constant 0 : i32
      %dma_start3A_91 = tpu.memref_slice %arg3[%mul3A_2, %dma_start3A_90] : memref<10240x80xi32, #tpu.memory_space<hbm>> -> memref<320x80xi32, #tpu.memory_space<hbm>>
      %dma_start3A_92 = arith.constant 0 : i32
      %dma_start3A_93 = tpu.memref_slice %arg3[%mul3A_2, %dma_start3A_92] : memref<10240x80xi32, #tpu.memory_space<hbm>> -> memref<320x80xi32, #tpu.memory_space<hbm>>
      tpu.enqueue_dma source(%dma_start3A_93 : memref<320x80xi32, #tpu.memory_space<hbm>>) target(%arg6 : memref<320x80xi32, #tpu.memory_space<vmem>>) target_semaphore(%run_scoped3A : memref<!tpu.dma_semaphore, #tpu.memory_space<semaphore_mem>>)
      %dma_wait3A_94 = arith.constant 0 : i32
      %dma_wait3A_95 = tpu.memref_slice %arg3[%mul3A_2, %dma_wait3A_94] : memref<10240x80xi32, #tpu.memory_space<hbm>> -> memref<320x80xi32, #tpu.memory_space<hbm>>
      %dma_wait3A_96 = arith.constant 0 : i32
      %dma_wait3A_97 = tpu.memref_slice %arg3[%mul3A_2, %dma_wait3A_96] : memref<10240x80xi32, #tpu.memory_space<hbm>> -> memref<320x80xi32, #tpu.memory_space<hbm>>
      tpu.wait_dma2 semaphore(%run_scoped3A : memref<!tpu.dma_semaphore, #tpu.memory_space<semaphore_mem>>) src(%dma_wait3A_97 : memref<320x80xi32, #tpu.memory_space<hbm>>) dst(%arg6 : memref<320x80xi32, #tpu.memory_space<vmem>>)
      tpu.yield
    }) : () -> ()
    %dma_start3A = arith.constant 0 : i32
    %dma_start3A_3 = arith.constant 0 : i32
    %dma_start3A_4 = arith.constant 0 : i32
    %dma_start3A_5 = arith.constant 0 : i32
    %dma_start3A_6 = tpu.memref_slice %arg8[%dma_start3A_3, %dma_start3A_4, %dma_start3A_5] : memref<4x80x128xf32, #tpu.memory_space<vmem>> -> memref<1x80x128xf32, #tpu.memory_space<vmem>>
    %dma_start3A_7 = tpu.memref_squeeze %dma_start3A_6 : memref<1x80x128xf32, #tpu.memory_space<vmem>> -> memref<80x128xf32, #tpu.memory_space<vmem>>
    %dma_start3A_8 = arith.constant 0 : i32
    %dma_start3A_9 = tpu.memref_slice %arg6[%dma_start3A, %dma_start3A_8] : memref<320x80xi32, #tpu.memory_space<vmem>> -> memref<1x80xi32, #tpu.memory_space<vmem>>
    %dma_start3A_10 = tpu.memref_squeeze %dma_start3A_9 : memref<1x80xi32, #tpu.memory_space<vmem>> -> memref<80xi32, #tpu.memory_space<vmem>>
    %dma_start3A_11 = arith.constant 0 : i32
    %dma_start3A_12 = arith.constant 0 : i32
    %dma_start3A_13 = tpu.memref_slice %arg2[%dma_start3A_11, %dma_start3A_12] : memref<1000000x128xf32, #tpu.memory_space<hbm>> -> memref<1000000x128xf32, #tpu.memory_space<hbm>>
    tpu.enqueue_indirect_dma source(%dma_start3A_13 : memref<1000000x128xf32, #tpu.memory_space<hbm>>) target(%dma_start3A_7 : memref<80x128xf32, #tpu.memory_space<vmem>>) offsets(%dma_start3A_10 : memref<80xi32, #tpu.memory_space<vmem>>) semaphore(%arg9 : memref<!tpu.dma_semaphore, #tpu.memory_space<semaphore_mem>>)
    %dma_start3A_14 = arith.constant 1 : i32
    %dma_start3A_15 = arith.constant 1 : i32
    %dma_start3A_16 = arith.constant 0 : i32
    %dma_start3A_17 = arith.constant 0 : i32
    %dma_start3A_18 = tpu.memref_slice %arg8[%dma_start3A_15, %dma_start3A_16, %dma_start3A_17] : memref<4x80x128xf32, #tpu.memory_space<vmem>> -> memref<1x80x128xf32, #tpu.memory_space<vmem>>
    %dma_start3A_19 = tpu.memref_squeeze %dma_start3A_18 : memref<1x80x128xf32, #tpu.memory_space<vmem>> -> memref<80x128xf32, #tpu.memory_space<vmem>>
    %dma_start3A_20 = arith.constant 0 : i32
    %dma_start3A_21 = tpu.memref_slice %arg6[%dma_start3A_14, %dma_start3A_20] : memref<320x80xi32, #tpu.memory_space<vmem>> -> memref<1x80xi32, #tpu.memory_space<vmem>>
    %dma_start3A_22 = tpu.memref_squeeze %dma_start3A_21 : memref<1x80xi32, #tpu.memory_space<vmem>> -> memref<80xi32, #tpu.memory_space<vmem>>
    %dma_start3A_23 = arith.constant 0 : i32
    %dma_start3A_24 = arith.constant 0 : i32
    %dma_start3A_25 = tpu.memref_slice %arg2[%dma_start3A_23, %dma_start3A_24] : memref<1000000x128xf32, #tpu.memory_space<hbm>> -> memref<1000000x128xf32, #tpu.memory_space<hbm>>
    tpu.enqueue_indirect_dma source(%dma_start3A_25 : memref<1000000x128xf32, #tpu.memory_space<hbm>>) target(%dma_start3A_19 : memref<80x128xf32, #tpu.memory_space<vmem>>) offsets(%dma_start3A_22 : memref<80xi32, #tpu.memory_space<vmem>>) semaphore(%arg10 : memref<!tpu.dma_semaphore, #tpu.memory_space<semaphore_mem>>)
    %scan3A = arith.constant 0 : i32
    %scan3A_26 = arith.constant 0 : i32
    %scan3A_27 = arith.constant 80 : i32
    %scan3A_28 = arith.addi %scan3A_26, %scan3A_27 : i32
    %scan3A_29 = arith.constant 1 : i32
    scf.for %scan3A_90 = %scan3A_26 to %scan3A_28 step %scan3A_29  : i32 {
      %mul3A_91 = arith.constant 4 : i32
      %mul3A_92 = arith.muli %scan3A_90, %mul3A_91 : i32
      %add3A_93 = arith.constant 0 : i32
      %add3A_94 = arith.addi %mul3A_92, %add3A_93 : i32
      %dma_wait3A_95 = arith.constant 0 : i32
      %dma_wait3A_96 = arith.constant 0 : i32
      %dma_wait3A_97 = arith.constant 0 : i32
      %dma_wait3A_98 = tpu.memref_slice %arg8[%dma_wait3A_95, %dma_wait3A_96, %dma_wait3A_97] : memref<4x80x128xf32, #tpu.memory_space<vmem>> -> memref<1x80x128xf32, #tpu.memory_space<vmem>>
      %dma_wait3A_99 = tpu.memref_squeeze %dma_wait3A_98 : memref<1x80x128xf32, #tpu.memory_space<vmem>> -> memref<80x128xf32, #tpu.memory_space<vmem>>
      %dma_wait3A_100 = arith.constant 0 : i32
      %dma_wait3A_101 = arith.constant 0 : i32
      %dma_wait3A_102 = tpu.memref_slice %arg5[%dma_wait3A_100, %dma_wait3A_101] : memref<819200x128xf32, #tpu.memory_space<hbm>> -> memref<80x128xf32, #tpu.memory_space<hbm>>
      %dma_wait3A_103 = arith.constant 0 : i32
      %dma_wait3A_104 = arith.constant 0 : i32
      %dma_wait3A_105 = tpu.memref_slice %arg8[%dma_wait3A_95, %dma_wait3A_103, %dma_wait3A_104] : memref<4x80x128xf32, #tpu.memory_space<vmem>> -> memref<1x80x128xf32, #tpu.memory_space<vmem>>
      %dma_wait3A_106 = tpu.memref_squeeze %dma_wait3A_105 : memref<1x80x128xf32, #tpu.memory_space<vmem>> -> memref<80x128xf32, #tpu.memory_space<vmem>>
      %dma_wait3A_107 = arith.constant 0 : i32
      %dma_wait3A_108 = arith.constant 0 : i32
      %dma_wait3A_109 = tpu.memref_slice %arg5[%dma_wait3A_107, %dma_wait3A_108] : memref<819200x128xf32, #tpu.memory_space<hbm>> -> memref<80x128xf32, #tpu.memory_space<hbm>>
      tpu.wait_dma2 semaphore(%arg9 : memref<!tpu.dma_semaphore, #tpu.memory_space<semaphore_mem>>) src(%dma_wait3A_109 : memref<80x128xf32, #tpu.memory_space<hbm>>) dst(%dma_wait3A_106 : memref<80x128xf32, #tpu.memory_space<vmem>>)
      %scan3A_110 = arith.constant 0 : i32
      %scan3A_111 = arith.constant 0 : i32
      %scan3A_112 = arith.constant 80 : i32
      %scan3A_113 = arith.addi %scan3A_111, %scan3A_112 : i32
      %scan3A_114 = arith.constant 1 : i32
      scf.for %scan3A_280 = %scan3A_111 to %scan3A_113 step %scan3A_114  : i32 {
        %mul3A_281 = arith.constant 80 : i32
        %mul3A_282 = arith.muli %add3A_94, %mul3A_281 : i32
        %jit3A = arith.constant 200 : i32
        %eq3A = arith.constant 0 : i32
        %eq3A_283 = arith.cmpi eq, %jit3A, %eq3A : i32
        %jit3A_284 = arith.constant 1 : i32
        %select_n3A = arith.select %eq3A_283, %jit3A_284, %jit3A : i32
        %rem3A = arith.remsi %mul3A_282, %select_n3A : i32
        %ne3A = arith.constant 0 : i32
        %ne3A_285 = arith.cmpi ne, %rem3A, %ne3A : i32
        %lt3A_286 = arith.constant 0 : i32
        %lt3A_287 = arith.cmpi slt, %rem3A, %lt3A_286 : i32
        %lt3A_288 = arith.constant 0 : i32
        %lt3A_289 = arith.cmpi slt, %select_n3A, %lt3A_288 : i32
        %ne3A_290 = arith.xori %lt3A_287, %lt3A_289 : i1
        %and3A = arith.andi %ne3A_290, %ne3A_285 : i1
        %add3A_291 = arith.addi %rem3A, %select_n3A : i32
        %select_n3A_292 = arith.select %and3A, %add3A_291, %rem3A : i32
        %add3A_293 = arith.addi %select_n3A_292, %scan3A_280 : i32
        %get3A = arith.constant 0 : i32
        %get3A_294 = arith.index_cast %get3A : i32 to index
        %get3A_295 = arith.index_cast %scan3A_280 : i32 to index
        %get3A_296 = arith.constant 0 : index
        %get3A_297 = tpu.vector_load %arg8[%get3A_294, %get3A_295, %get3A_296] {strides = array<i32>} : memref<4x80x128xf32, #tpu.memory_space<vmem>>, vector<1x1x16xf32>,
        %get3A_298 = vector.shape_cast %get3A_297 : vector<1x1x16xf32> to vector<16xf32>
        %mul3A_299 = arith.constant 11.3137083 : f32
        %mul3A_300 = vector.broadcast %mul3A_299 : f32 to vector<16xf32>
        %mul3A_301 = arith.mulf %get3A_298, %mul3A_300 : vector<16xf32>
        %get3A_302 = arith.index_cast %add3A_293 : i32 to index
        %get3A_303 = arith.constant 0 : index
        %get3A_304 = tpu.vector_load %arg7[%get3A_302, %get3A_303] {strides = array<i32>} : memref<240x128xf32, #tpu.memory_space<vmem>>, vector<1x16xf32>,
        %get3A_305 = vector.shape_cast %get3A_304 : vector<1x16xf32> to vector<16xf32>
        %add3A_306 = arith.addf %mul3A_301, %get3A_305 : vector<16xf32>
        %swap3A = arith.constant 0 : i32
        %swap3A_307 = arith.index_cast %swap3A : i32 to index
        %swap3A_308 = arith.index_cast %scan3A_280 : i32 to index
        %swap3A_309 = arith.constant 0 : index
        %swap3A_310 = tpu.vector_load %arg8[%swap3A_307, %swap3A_308, %swap3A_309] {strides = array<i32>} : memref<4x80x128xf32, #tpu.memory_space<vmem>>, vector<1x1x16xf32>,
        %swap3A_311 = vector.shape_cast %swap3A_310 : vector<1x1x16xf32> to vector<16xf32>
        %swap3A_312 = vector.shape_cast %add3A_306 : vector<16xf32> to vector<1x1x16xf32>
        tpu.vector_store %arg8[%swap3A_307, %swap3A_308, %swap3A_309], %swap3A_312 {strides = array<i32>} : memref<4x80x128xf32, #tpu.memory_space<vmem>>, vector<1x1x16xf32>,
        %get3A_313 = arith.constant 0 : i32
        %get3A_314 = arith.index_cast %get3A_313 : i32 to index
        %get3A_315 = arith.index_cast %scan3A_280 : i32 to index
        %get3A_316 = arith.constant 16 : index
        %get3A_317 = tpu.vector_load %arg8[%get3A_314, %get3A_315, %get3A_316] {strides = array<i32>} : memref<4x80x128xf32, #tpu.memory_space<vmem>>, vector<1x1x16xf32>,
        %get3A_318 = vector.shape_cast %get3A_317 : vector<1x1x16xf32> to vector<16xf32>
        %mul3A_319 = arith.constant 11.3137083 : f32
        %mul3A_320 = vector.broadcast %mul3A_319 : f32 to vector<16xf32>
        %mul3A_321 = arith.mulf %get3A_318, %mul3A_320 : vector<16xf32>
        %get3A_322 = arith.index_cast %add3A_293 : i32 to index
        %get3A_323 = arith.constant 16 : index
        %get3A_324 = tpu.vector_load %arg7[%get3A_322, %get3A_323] {strides = array<i32>} : memref<240x128xf32, #tpu.memory_space<vmem>>, vector<1x16xf32>,
        %get3A_325 = vector.shape_cast %get3A_324 : vector<1x16xf32> to vector<16xf32>
        %add3A_326 = arith.addf %mul3A_321, %get3A_325 : vector<16xf32>
        %swap3A_327 = arith.constant 0 : i32
        %swap3A_328 = arith.index_cast %swap3A_327 : i32 to index
        %swap3A_329 = arith.index_cast %scan3A_280 : i32 to index
        %swap3A_330 = arith.constant 16 : index
        %swap3A_331 = tpu.vector_load %arg8[%swap3A_328, %swap3A_329, %swap3A_330] {strides = array<i32>} : memref<4x80x128xf32, #tpu.memory_space<vmem>>, vector<1x1x16xf32>,
        %swap3A_332 = vector.shape_cast %swap3A_331 : vector<1x1x16xf32> to vector<16xf32>
        %swap3A_333 = vector.shape_cast %add3A_326 : vector<16xf32> to vector<1x1x16xf32>
        tpu.vector_store %arg8[%swap3A_328, %swap3A_329, %swap3A_330], %swap3A_333 {strides = array<i32>} : memref<4x80x128xf32, #tpu.memory_space<vmem>>, vector<1x1x16xf32>,
        %get3A_334 = arith.constant 0 : i32
        %get3A_335 = arith.index_cast %get3A_334 : i32 to index
        %get3A_336 = arith.index_cast %scan3A_280 : i32 to index
        %get3A_337 = arith.constant 32 : index
        %get3A_338 = tpu.vector_load %arg8[%get3A_335, %get3A_336, %get3A_337] {strides = array<i32>} : memref<4x80x128xf32, #tpu.memory_space<vmem>>, vector<1x1x16xf32>,
        %get3A_339 = vector.shape_cast %get3A_338 : vector<1x1x16xf32> to vector<16xf32>
        %mul3A_340 = arith.constant 11.3137083 : f32
        %mul3A_341 = vector.broadcast %mul3A_340 : f32 to vector<16xf32>
        %mul3A_342 = arith.mulf %get3A_339, %mul3A_341 : vector<16xf32>
        %get3A_343 = arith.index_cast %add3A_293 : i32 to index
        %get3A_344 = arith.constant 32 : index
        %get3A_345 = tpu.vector_load %arg7[%get3A_343, %get3A_344] {strides = array<i32>} : memref<240x128xf32, #tpu.memory_space<vmem>>, vector<1x16xf32>,
        %get3A_346 = vector.shape_cast %get3A_345 : vector<1x16xf32> to vector<16xf32>
        %add3A_347 = arith.addf %mul3A_342, %get3A_346 : vector<16xf32>
        %swap3A_348 = arith.constant 0 : i32
        %swap3A_349 = arith.index_cast %swap3A_348 : i32 to index
        %swap3A_350 = arith.index_cast %scan3A_280 : i32 to index
        %swap3A_351 = arith.constant 32 : index
        %swap3A_352 = tpu.vector_load %arg8[%swap3A_349, %swap3A_350, %swap3A_351] {strides = array<i32>} : memref<4x80x128xf32, #tpu.memory_space<vmem>>, vector<1x1x16xf32>,
        %swap3A_353 = vector.shape_cast %swap3A_352 : vector<1x1x16xf32> to vector<16xf32>
        %swap3A_354 = vector.shape_cast %add3A_347 : vector<16xf32> to vector<1x1x16xf32>
        tpu.vector_store %arg8[%swap3A_349, %swap3A_350, %swap3A_351], %swap3A_354 {strides = array<i32>} : memref<4x80x128xf32, #tpu.memory_space<vmem>>, vector<1x1x16xf32>,
        %get3A_355 = arith.constant 0 : i32
        %get3A_356 = arith.index_cast %get3A_355 : i32 to index
        %get3A_357 = arith.index_cast %scan3A_280 : i32 to index
        %get3A_358 = arith.constant 48 : index
        %get3A_359 = tpu.vector_load %arg8[%get3A_356, %get3A_357, %get3A_358] {strides = array<i32>} : memref<4x80x128xf32, #tpu.memory_space<vmem>>, vector<1x1x16xf32>,
        %get3A_360 = vector.shape_cast %get3A_359 : vector<1x1x16xf32> to vector<16xf32>
        %mul3A_361 = arith.constant 11.3137083 : f32
        %mul3A_362 = vector.broadcast %mul3A_361 : f32 to vector<16xf32>
        %mul3A_363 = arith.mulf %get3A_360, %mul3A_362 : vector<16xf32>
        %get3A_364 = arith.index_cast %add3A_293 : i32 to index
        %get3A_365 = arith.constant 48 : index
        %get3A_366 = tpu.vector_load %arg7[%get3A_364, %get3A_365] {strides = array<i32>} : memref<240x128xf32, #tpu.memory_space<vmem>>, vector<1x16xf32>,
        %get3A_367 = vector.shape_cast %get3A_366 : vector<1x16xf32> to vector<16xf32>
        %add3A_368 = arith.addf %mul3A_363, %get3A_367 : vector<16xf32>
        %swap3A_369 = arith.constant 0 : i32
        %swap3A_370 = arith.index_cast %swap3A_369 : i32 to index
        %swap3A_371 = arith.index_cast %scan3A_280 : i32 to index
        %swap3A_372 = arith.constant 48 : index
        %swap3A_373 = tpu.vector_load %arg8[%swap3A_370, %swap3A_371, %swap3A_372] {strides = array<i32>} : memref<4x80x128xf32, #tpu.memory_space<vmem>>, vector<1x1x16xf32>,
        %swap3A_374 = vector.shape_cast %swap3A_373 : vector<1x1x16xf32> to vector<16xf32>
        %swap3A_375 = vector.shape_cast %add3A_368 : vector<16xf32> to vector<1x1x16xf32>
        tpu.vector_store %arg8[%swap3A_370, %swap3A_371, %swap3A_372], %swap3A_375 {strides = array<i32>} : memref<4x80x128xf32, #tpu.memory_space<vmem>>, vector<1x1x16xf32>,
        %get3A_376 = arith.constant 0 : i32
        %get3A_377 = arith.index_cast %get3A_376 : i32 to index
        %get3A_378 = arith.index_cast %scan3A_280 : i32 to index
        %get3A_379 = arith.constant 64 : index
        %get3A_380 = tpu.vector_load %arg8[%get3A_377, %get3A_378, %get3A_379] {strides = array<i32>} : memref<4x80x128xf32, #tpu.memory_space<vmem>>, vector<1x1x16xf32>,
        %get3A_381 = vector.shape_cast %get3A_380 : vector<1x1x16xf32> to vector<16xf32>
        %mul3A_382 = arith.constant 11.3137083 : f32
        %mul3A_383 = vector.broadcast %mul3A_382 : f32 to vector<16xf32>
        %mul3A_384 = arith.mulf %get3A_381, %mul3A_383 : vector<16xf32>
        %get3A_385 = arith.index_cast %add3A_293 : i32 to index
        %get3A_386 = arith.constant 64 : index
        %get3A_387 = tpu.vector_load %arg7[%get3A_385, %get3A_386] {strides = array<i32>} : memref<240x128xf32, #tpu.memory_space<vmem>>, vector<1x16xf32>,
        %get3A_388 = vector.shape_cast %get3A_387 : vector<1x16xf32> to vector<16xf32>
        %add3A_389 = arith.addf %mul3A_384, %get3A_388 : vector<16xf32>
        %swap3A_390 = arith.constant 0 : i32
        %swap3A_391 = arith.index_cast %swap3A_390 : i32 to index
        %swap3A_392 = arith.index_cast %scan3A_280 : i32 to index
        %swap3A_393 = arith.constant 64 : index
        %swap3A_394 = tpu.vector_load %arg8[%swap3A_391, %swap3A_392, %swap3A_393] {strides = array<i32>} : memref<4x80x128xf32, #tpu.memory_space<vmem>>, vector<1x1x16xf32>,
        %swap3A_395 = vector.shape_cast %swap3A_394 : vector<1x1x16xf32> to vector<16xf32>
        %swap3A_396 = vector.shape_cast %add3A_389 : vector<16xf32> to vector<1x1x16xf32>
        tpu.vector_store %arg8[%swap3A_391, %swap3A_392, %swap3A_393], %swap3A_396 {strides = array<i32>} : memref<4x80x128xf32, #tpu.memory_space<vmem>>, vector<1x1x16xf32>,
        %get3A_397 = arith.constant 0 : i32
        %get3A_398 = arith.index_cast %get3A_397 : i32 to index
        %get3A_399 = arith.index_cast %scan3A_280 : i32 to index
        %get3A_400 = arith.constant 80 : index
        %get3A_401 = tpu.vector_load %arg8[%get3A_398, %get3A_399, %get3A_400] {strides = array<i32>} : memref<4x80x128xf32, #tpu.memory_space<vmem>>, vector<1x1x16xf32>,
        %get3A_402 = vector.shape_cast %get3A_401 : vector<1x1x16xf32> to vector<16xf32>
        %mul3A_403 = arith.constant 11.3137083 : f32
        %mul3A_404 = vector.broadcast %mul3A_403 : f32 to vector<16xf32>
        %mul3A_405 = arith.mulf %get3A_402, %mul3A_404 : vector<16xf32>
        %get3A_406 = arith.index_cast %add3A_293 : i32 to index
        %get3A_407 = arith.constant 80 : index
        %get3A_408 = tpu.vector_load %arg7[%get3A_406, %get3A_407] {strides = array<i32>} : memref<240x128xf32, #tpu.memory_space<vmem>>, vector<1x16xf32>,
        %get3A_409 = vector.shape_cast %get3A_408 : vector<1x16xf32> to vector<16xf32>
        %add3A_410 = arith.addf %mul3A_405, %get3A_409 : vector<16xf32>
        %swap3A_411 = arith.constant 0 : i32
        %swap3A_412 = arith.index_cast %swap3A_411 : i32 to index
        %swap3A_413 = arith.index_cast %scan3A_280 : i32 to index
        %swap3A_414 = arith.constant 80 : index
        %swap3A_415 = tpu.vector_load %arg8[%swap3A_412, %swap3A_413, %swap3A_414] {strides = array<i32>} : memref<4x80x128xf32, #tpu.memory_space<vmem>>, vector<1x1x16xf32>,
        %swap3A_416 = vector.shape_cast %swap3A_415 : vector<1x1x16xf32> to vector<16xf32>
        %swap3A_417 = vector.shape_cast %add3A_410 : vector<16xf32> to vector<1x1x16xf32>
        tpu.vector_store %arg8[%swap3A_412, %swap3A_413, %swap3A_414], %swap3A_417 {strides = array<i32>} : memref<4x80x128xf32, #tpu.memory_space<vmem>>, vector<1x1x16xf32>,
        %get3A_418 = arith.constant 0 : i32
        %get3A_419 = arith.index_cast %get3A_418 : i32 to index
        %get3A_420 = arith.index_cast %scan3A_280 : i32 to index
        %get3A_421 = arith.constant 96 : index
        %get3A_422 = tpu.vector_load %arg8[%get3A_419, %get3A_420, %get3A_421] {strides = array<i32>} : memref<4x80x128xf32, #tpu.memory_space<vmem>>, vector<1x1x16xf32>,
        %get3A_423 = vector.shape_cast %get3A_422 : vector<1x1x16xf32> to vector<16xf32>
        %mul3A_424 = arith.constant 11.3137083 : f32
        %mul3A_425 = vector.broadcast %mul3A_424 : f32 to vector<16xf32>
        %mul3A_426 = arith.mulf %get3A_423, %mul3A_425 : vector<16xf32>
        %get3A_427 = arith.index_cast %add3A_293 : i32 to index
        %get3A_428 = arith.constant 96 : index
        %get3A_429 = tpu.vector_load %arg7[%get3A_427, %get3A_428] {strides = array<i32>} : memref<240x128xf32, #tpu.memory_space<vmem>>, vector<1x16xf32>,
        %get3A_430 = vector.shape_cast %get3A_429 : vector<1x16xf32> to vector<16xf32>
        %add3A_431 = arith.addf %mul3A_426, %get3A_430 : vector<16xf32>
        %swap3A_432 = arith.constant 0 : i32
        %swap3A_433 = arith.index_cast %swap3A_432 : i32 to index
        %swap3A_434 = arith.index_cast %scan3A_280 : i32 to index
        %swap3A_435 = arith.constant 96 : index
        %swap3A_436 = tpu.vector_load %arg8[%swap3A_433, %swap3A_434, %swap3A_435] {strides = array<i32>} : memref<4x80x128xf32, #tpu.memory_space<vmem>>, vector<1x1x16xf32>,
        %swap3A_437 = vector.shape_cast %swap3A_436 : vector<1x1x16xf32> to vector<16xf32>
        %swap3A_438 = vector.shape_cast %add3A_431 : vector<16xf32> to vector<1x1x16xf32>
        tpu.vector_store %arg8[%swap3A_433, %swap3A_434, %swap3A_435], %swap3A_438 {strides = array<i32>} : memref<4x80x128xf32, #tpu.memory_space<vmem>>, vector<1x1x16xf32>,
        %get3A_439 = arith.constant 0 : i32
        %get3A_440 = arith.index_cast %get3A_439 : i32 to index
        %get3A_441 = arith.index_cast %scan3A_280 : i32 to index
        %get3A_442 = arith.constant 112 : index
        %get3A_443 = tpu.vector_load %arg8[%get3A_440, %get3A_441, %get3A_442] {strides = array<i32>} : memref<4x80x128xf32, #tpu.memory_space<vmem>>, vector<1x1x16xf32>,
        %get3A_444 = vector.shape_cast %get3A_443 : vector<1x1x16xf32> to vector<16xf32>
        %mul3A_445 = arith.constant 11.3137083 : f32
        %mul3A_446 = vector.broadcast %mul3A_445 : f32 to vector<16xf32>
        %mul3A_447 = arith.mulf %get3A_444, %mul3A_446 : vector<16xf32>
        %get3A_448 = arith.index_cast %add3A_293 : i32 to index
        %get3A_449 = arith.constant 112 : index
        %get3A_450 = tpu.vector_load %arg7[%get3A_448, %get3A_449] {strides = array<i32>} : memref<240x128xf32, #tpu.memory_space<vmem>>, vector<1x16xf32>,
        %get3A_451 = vector.shape_cast %get3A_450 : vector<1x16xf32> to vector<16xf32>
        %add3A_452 = arith.addf %mul3A_447, %get3A_451 : vector<16xf32>
        %swap3A_453 = arith.constant 0 : i32
        %swap3A_454 = arith.index_cast %swap3A_453 : i32 to index
        %swap3A_455 = arith.index_cast %scan3A_280 : i32 to index
        %swap3A_456 = arith.constant 112 : index
        %swap3A_457 = tpu.vector_load %arg8[%swap3A_454, %swap3A_455, %swap3A_456] {strides = array<i32>} : memref<4x80x128xf32, #tpu.memory_space<vmem>>, vector<1x1x16xf32>,
        %swap3A_458 = vector.shape_cast %swap3A_457 : vector<1x1x16xf32> to vector<16xf32>
        %swap3A_459 = vector.shape_cast %add3A_452 : vector<16xf32> to vector<1x1x16xf32>
        tpu.vector_store %arg8[%swap3A_454, %swap3A_455, %swap3A_456], %swap3A_459 {strides = array<i32>} : memref<4x80x128xf32, #tpu.memory_space<vmem>>, vector<1x1x16xf32>,
      }
      %scan3A_115 = arith.constant 80 : i32
      %add3A_116 = arith.addi %mul3A_2, %add3A_94 : i32
      %mul3A_117 = arith.constant 80 : i32
      %mul3A_118 = arith.muli %add3A_116, %mul3A_117 : i32
      %dma_start3A_119 = arith.constant 0 : i32
      %dma_start3A_120 = arith.constant 0 : i32
      %dma_start3A_121 = arith.constant 0 : i32
      %dma_start3A_122 = tpu.memref_slice %arg8[%dma_start3A_119, %dma_start3A_120, %dma_start3A_121] : memref<4x80x128xf32, #tpu.memory_space<vmem>> -> memref<1x80x128xf32, #tpu.memory_space<vmem>>
      %dma_start3A_123 = tpu.memref_squeeze %dma_start3A_122 : memref<1x80x128xf32, #tpu.memory_space<vmem>> -> memref<80x128xf32, #tpu.memory_space<vmem>>
      %dma_start3A_124 = arith.constant 0 : i32
      %dma_start3A_125 = tpu.memref_slice %arg5[%mul3A_118, %dma_start3A_124] : memref<819200x128xf32, #tpu.memory_space<hbm>> -> memref<80x128xf32, #tpu.memory_space<hbm>>
      %dma_start3A_126 = arith.constant 0 : i32
      %dma_start3A_127 = tpu.memref_slice %arg5[%mul3A_118, %dma_start3A_126] : memref<819200x128xf32, #tpu.memory_space<hbm>> -> memref<80x128xf32, #tpu.memory_space<hbm>>
      %dma_start3A_128 = arith.constant 0 : i32
      %dma_start3A_129 = arith.constant 0 : i32
      %dma_start3A_130 = tpu.memref_slice %arg8[%dma_start3A_119, %dma_start3A_128, %dma_start3A_129] : memref<4x80x128xf32, #tpu.memory_space<vmem>> -> memref<1x80x128xf32, #tpu.memory_space<vmem>>
      %dma_start3A_131 = tpu.memref_squeeze %dma_start3A_130 : memref<1x80x128xf32, #tpu.memory_space<vmem>> -> memref<80x128xf32, #tpu.memory_space<vmem>>
      tpu.enqueue_dma source(%dma_start3A_131 : memref<80x128xf32, #tpu.memory_space<vmem>>) target(%dma_start3A_127 : memref<80x128xf32, #tpu.memory_space<hbm>>) target_semaphore(%arg13 : memref<!tpu.dma_semaphore, #tpu.memory_space<semaphore_mem>>)
      %add3A_132 = arith.constant 2 : i32
      %add3A_133 = arith.addi %add3A_94, %add3A_132 : i32
      %lt3A = arith.constant 320 : i32
      %lt3A_134 = arith.cmpi slt, %add3A_133, %lt3A : i32
      %convert_element_type3A = arith.extui %lt3A_134 : i1 to i32
      %cond3A = arith.constant 0 : i32
      %cond3A_135 = arith.cmpi ne, %convert_element_type3A, %cond3A : i32
      scf.if %cond3A_135 {
        %sub3A = arith.constant 4 : i32
        %sub3A_280 = arith.subi %add3A_133, %sub3A : i32
        %ge3A = arith.constant 0 : i32
        %ge3A_281 = arith.cmpi sge, %sub3A_280, %ge3A : i32
        %convert_element_type3A_282 = arith.extui %ge3A_281 : i1 to i32
        %cond3A_283 = arith.constant 0 : i32
        %cond3A_284 = arith.cmpi ne, %convert_element_type3A_282, %cond3A_283 : i32
        scf.if %cond3A_284 {
          %dma_wait3A_296 = arith.constant 2 : i32
          %dma_wait3A_297 = arith.constant 0 : i32
          %dma_wait3A_298 = arith.constant 0 : i32
          %dma_wait3A_299 = tpu.memref_slice %arg8[%dma_wait3A_296, %dma_wait3A_297, %dma_wait3A_298] : memref<4x80x128xf32, #tpu.memory_space<vmem>> -> memref<1x80x128xf32, #tpu.memory_space<vmem>>
          %dma_wait3A_300 = tpu.memref_squeeze %dma_wait3A_299 : memref<1x80x128xf32, #tpu.memory_space<vmem>> -> memref<80x128xf32, #tpu.memory_space<vmem>>
          %dma_wait3A_301 = arith.constant 0 : i32
          %dma_wait3A_302 = arith.constant 0 : i32
          %dma_wait3A_303 = tpu.memref_slice %arg5[%dma_wait3A_301, %dma_wait3A_302] : memref<819200x128xf32, #tpu.memory_space<hbm>> -> memref<80x128xf32, #tpu.memory_space<hbm>>
          %dma_wait3A_304 = arith.constant 0 : i32
          %dma_wait3A_305 = arith.constant 0 : i32
          %dma_wait3A_306 = tpu.memref_slice %arg5[%dma_wait3A_304, %dma_wait3A_305] : memref<819200x128xf32, #tpu.memory_space<hbm>> -> memref<80x128xf32, #tpu.memory_space<hbm>>
          %dma_wait3A_307 = arith.constant 0 : i32
          %dma_wait3A_308 = arith.constant 0 : i32
          %dma_wait3A_309 = tpu.memref_slice %arg8[%dma_wait3A_296, %dma_wait3A_307, %dma_wait3A_308] : memref<4x80x128xf32, #tpu.memory_space<vmem>> -> memref<1x80x128xf32, #tpu.memory_space<vmem>>
          %dma_wait3A_310 = tpu.memref_squeeze %dma_wait3A_309 : memref<1x80x128xf32, #tpu.memory_space<vmem>> -> memref<80x128xf32, #tpu.memory_space<vmem>>
          tpu.wait_dma2 semaphore(%arg15 : memref<!tpu.dma_semaphore, #tpu.memory_space<semaphore_mem>>) src(%dma_wait3A_310 : memref<80x128xf32, #tpu.memory_space<vmem>>) dst(%dma_wait3A_306 : memref<80x128xf32, #tpu.memory_space<hbm>>)
        } else {
        }
        %dma_start3A_285 = arith.constant 2 : i32
        %dma_start3A_286 = arith.constant 0 : i32
        %dma_start3A_287 = arith.constant 0 : i32
        %dma_start3A_288 = tpu.memref_slice %arg8[%dma_start3A_285, %dma_start3A_286, %dma_start3A_287] : memref<4x80x128xf32, #tpu.memory_space<vmem>> -> memref<1x80x128xf32, #tpu.memory_space<vmem>>
        %dma_start3A_289 = tpu.memref_squeeze %dma_start3A_288 : memref<1x80x128xf32, #tpu.memory_space<vmem>> -> memref<80x128xf32, #tpu.memory_space<vmem>>
        %dma_start3A_290 = arith.constant 0 : i32
        %dma_start3A_291 = tpu.memref_slice %arg6[%add3A_133, %dma_start3A_290] : memref<320x80xi32, #tpu.memory_space<vmem>> -> memref<1x80xi32, #tpu.memory_space<vmem>>
        %dma_start3A_292 = tpu.memref_squeeze %dma_start3A_291 : memref<1x80xi32, #tpu.memory_space<vmem>> -> memref<80xi32, #tpu.memory_space<vmem>>
        %dma_start3A_293 = arith.constant 0 : i32
        %dma_start3A_294 = arith.constant 0 : i32
        %dma_start3A_295 = tpu.memref_slice %arg2[%dma_start3A_293, %dma_start3A_294] : memref<1000000x128xf32, #tpu.memory_space<hbm>> -> memref<1000000x128xf32, #tpu.memory_space<hbm>>
        tpu.enqueue_indirect_dma source(%dma_start3A_295 : memref<1000000x128xf32, #tpu.memory_space<hbm>>) target(%dma_start3A_289 : memref<80x128xf32, #tpu.memory_space<vmem>>) offsets(%dma_start3A_292 : memref<80xi32, #tpu.memory_space<vmem>>) semaphore(%arg11 : memref<!tpu.dma_semaphore, #tpu.memory_space<semaphore_mem>>)
      } else {
      }
      %mul3A_136 = arith.constant 4 : i32
      %mul3A_137 = arith.muli %scan3A_90, %mul3A_136 : i32
      %add3A_138 = arith.constant 1 : i32
      %add3A_139 = arith.addi %mul3A_137, %add3A_138 : i32
      %dma_wait3A_140 = arith.constant 1 : i32
      %dma_wait3A_141 = arith.constant 0 : i32
      %dma_wait3A_142 = arith.constant 0 : i32
      %dma_wait3A_143 = tpu.memref_slice %arg8[%dma_wait3A_140, %dma_wait3A_141, %dma_wait3A_142] : memref<4x80x128xf32, #tpu.memory_space<vmem>> -> memref<1x80x128xf32, #tpu.memory_space<vmem>>
      %dma_wait3A_144 = tpu.memref_squeeze %dma_wait3A_143 : memref<1x80x128xf32, #tpu.memory_space<vmem>> -> memref<80x128xf32, #tpu.memory_space<vmem>>
      %dma_wait3A_145 = arith.constant 0 : i32
      %dma_wait3A_146 = arith.constant 0 : i32
      %dma_wait3A_147 = tpu.memref_slice %arg5[%dma_wait3A_145, %dma_wait3A_146] : memref<819200x128xf32, #tpu.memory_space<hbm>> -> memref<80x128xf32, #tpu.memory_space<hbm>>
      %dma_wait3A_148 = arith.constant 0 : i32
      %dma_wait3A_149 = arith.constant 0 : i32
      %dma_wait3A_150 = tpu.memref_slice %arg8[%dma_wait3A_140, %dma_wait3A_148, %dma_wait3A_149] : memref<4x80x128xf32, #tpu.memory_space<vmem>> -> memref<1x80x128xf32, #tpu.memory_space<vmem>>
      %dma_wait3A_151 = tpu.memref_squeeze %dma_wait3A_150 : memref<1x80x128xf32, #tpu.memory_space<vmem>> -> memref<80x128xf32, #tpu.memory_space<vmem>>
      %dma_wait3A_152 = arith.constant 0 : i32
      %dma_wait3A_153 = arith.constant 0 : i32
      %dma_wait3A_154 = tpu.memref_slice %arg5[%dma_wait3A_152, %dma_wait3A_153] : memref<819200x128xf32, #tpu.memory_space<hbm>> -> memref<80x128xf32, #tpu.memory_space<hbm>>
      tpu.wait_dma2 semaphore(%arg10 : memref<!tpu.dma_semaphore, #tpu.memory_space<semaphore_mem>>) src(%dma_wait3A_154 : memref<80x128xf32, #tpu.memory_space<hbm>>) dst(%dma_wait3A_151 : memref<80x128xf32, #tpu.memory_space<vmem>>)
      %scan3A_155 = arith.constant 0 : i32
      %scan3A_156 = arith.constant 0 : i32
      %scan3A_157 = arith.constant 80 : i32
      %scan3A_158 = arith.addi %scan3A_156, %scan3A_157 : i32
      %scan3A_159 = arith.constant 1 : i32
      scf.for %scan3A_280 = %scan3A_156 to %scan3A_158 step %scan3A_159  : i32 {
        %mul3A_281 = arith.constant 80 : i32
        %mul3A_282 = arith.muli %add3A_139, %mul3A_281 : i32
        %jit3A = arith.constant 200 : i32
        %eq3A = arith.constant 0 : i32
        %eq3A_283 = arith.cmpi eq, %jit3A, %eq3A : i32
        %jit3A_284 = arith.constant 1 : i32
        %select_n3A = arith.select %eq3A_283, %jit3A_284, %jit3A : i32
        %rem3A = arith.remsi %mul3A_282, %select_n3A : i32
        %ne3A = arith.constant 0 : i32
        %ne3A_285 = arith.cmpi ne, %rem3A, %ne3A : i32
        %lt3A_286 = arith.constant 0 : i32
        %lt3A_287 = arith.cmpi slt, %rem3A, %lt3A_286 : i32
        %lt3A_288 = arith.constant 0 : i32
        %lt3A_289 = arith.cmpi slt, %select_n3A, %lt3A_288 : i32
        %ne3A_290 = arith.xori %lt3A_287, %lt3A_289 : i1
        %and3A = arith.andi %ne3A_290, %ne3A_285 : i1
        %add3A_291 = arith.addi %rem3A, %select_n3A : i32
        %select_n3A_292 = arith.select %and3A, %add3A_291, %rem3A : i32
        %add3A_293 = arith.addi %select_n3A_292, %scan3A_280 : i32
        %get3A = arith.constant 1 : i32
        %get3A_294 = arith.index_cast %get3A : i32 to index
        %get3A_295 = arith.index_cast %scan3A_280 : i32 to index
        %get3A_296 = arith.constant 0 : index
        %get3A_297 = tpu.vector_load %arg8[%get3A_294, %get3A_295, %get3A_296] {strides = array<i32>} : memref<4x80x128xf32, #tpu.memory_space<vmem>>, vector<1x1x16xf32>,
        %get3A_298 = vector.shape_cast %get3A_297 : vector<1x1x16xf32> to vector<16xf32>
        %mul3A_299 = arith.constant 11.3137083 : f32
        %mul3A_300 = vector.broadcast %mul3A_299 : f32 to vector<16xf32>
        %mul3A_301 = arith.mulf %get3A_298, %mul3A_300 : vector<16xf32>
        %get3A_302 = arith.index_cast %add3A_293 : i32 to index
        %get3A_303 = arith.constant 0 : index
        %get3A_304 = tpu.vector_load %arg7[%get3A_302, %get3A_303] {strides = array<i32>} : memref<240x128xf32, #tpu.memory_space<vmem>>, vector<1x16xf32>,
        %get3A_305 = vector.shape_cast %get3A_304 : vector<1x16xf32> to vector<16xf32>
        %add3A_306 = arith.addf %mul3A_301, %get3A_305 : vector<16xf32>
        %swap3A = arith.constant 1 : i32
        %swap3A_307 = arith.index_cast %swap3A : i32 to index
        %swap3A_308 = arith.index_cast %scan3A_280 : i32 to index
        %swap3A_309 = arith.constant 0 : index
        %swap3A_310 = tpu.vector_load %arg8[%swap3A_307, %swap3A_308, %swap3A_309] {strides = array<i32>} : memref<4x80x128xf32, #tpu.memory_space<vmem>>, vector<1x1x16xf32>,
        %swap3A_311 = vector.shape_cast %swap3A_310 : vector<1x1x16xf32> to vector<16xf32>
        %swap3A_312 = vector.shape_cast %add3A_306 : vector<16xf32> to vector<1x1x16xf32>
        tpu.vector_store %arg8[%swap3A_307, %swap3A_308, %swap3A_309], %swap3A_312 {strides = array<i32>} : memref<4x80x128xf32, #tpu.memory_space<vmem>>, vector<1x1x16xf32>,
        %get3A_313 = arith.constant 1 : i32
        %get3A_314 = arith.index_cast %get3A_313 : i32 to index
        %get3A_315 = arith.index_cast %scan3A_280 : i32 to index
        %get3A_316 = arith.constant 16 : index
        %get3A_317 = tpu.vector_load %arg8[%get3A_314, %get3A_315, %get3A_316] {strides = array<i32>} : memref<4x80x128xf32, #tpu.memory_space<vmem>>, vector<1x1x16xf32>,
        %get3A_318 = vector.shape_cast %get3A_317 : vector<1x1x16xf32> to vector<16xf32>
        %mul3A_319 = arith.constant 11.3137083 : f32
        %mul3A_320 = vector.broadcast %mul3A_319 : f32 to vector<16xf32>
        %mul3A_321 = arith.mulf %get3A_318, %mul3A_320 : vector<16xf32>
        %get3A_322 = arith.index_cast %add3A_293 : i32 to index
        %get3A_323 = arith.constant 16 : index
        %get3A_324 = tpu.vector_load %arg7[%get3A_322, %get3A_323] {strides = array<i32>} : memref<240x128xf32, #tpu.memory_space<vmem>>, vector<1x16xf32>,
        %get3A_325 = vector.shape_cast %get3A_324 : vector<1x16xf32> to vector<16xf32>
        %add3A_326 = arith.addf %mul3A_321, %get3A_325 : vector<16xf32>
        %swap3A_327 = arith.constant 1 : i32
        %swap3A_328 = arith.index_cast %swap3A_327 : i32 to index
        %swap3A_329 = arith.index_cast %scan3A_280 : i32 to index
        %swap3A_330 = arith.constant 16 : index
        %swap3A_331 = tpu.vector_load %arg8[%swap3A_328, %swap3A_329, %swap3A_330] {strides = array<i32>} : memref<4x80x128xf32, #tpu.memory_space<vmem>>, vector<1x1x16xf32>,
        %swap3A_332 = vector.shape_cast %swap3A_331 : vector<1x1x16xf32> to vector<16xf32>
        %swap3A_333 = vector.shape_cast %add3A_326 : vector<16xf32> to vector<1x1x16xf32>
        tpu.vector_store %arg8[%swap3A_328, %swap3A_329, %swap3A_330], %swap3A_333 {strides = array<i32>} : memref<4x80x128xf32, #tpu.memory_space<vmem>>, vector<1x1x16xf32>,
        %get3A_334 = arith.constant 1 : i32
        %get3A_335 = arith.index_cast %get3A_334 : i32 to index
        %get3A_336 = arith.index_cast %scan3A_280 : i32 to index
        %get3A_337 = arith.constant 32 : index
        %get3A_338 = tpu.vector_load %arg8[%get3A_335, %get3A_336, %get3A_337] {strides = array<i32>} : memref<4x80x128xf32, #tpu.memory_space<vmem>>, vector<1x1x16xf32>,
        %get3A_339 = vector.shape_cast %get3A_338 : vector<1x1x16xf32> to vector<16xf32>
        %mul3A_340 = arith.constant 11.3137083 : f32
        %mul3A_341 = vector.broadcast %mul3A_340 : f32 to vector<16xf32>
        %mul3A_342 = arith.mulf %get3A_339, %mul3A_341 : vector<16xf32>
        %get3A_343 = arith.index_cast %add3A_293 : i32 to index
        %get3A_344 = arith.constant 32 : index
        %get3A_345 = tpu.vector_load %arg7[%get3A_343, %get3A_344] {strides = array<i32>} : memref<240x128xf32, #tpu.memory_space<vmem>>, vector<1x16xf32>,
        %get3A_346 = vector.shape_cast %get3A_345 : vector<1x16xf32> to vector<16xf32>
        %add3A_347 = arith.addf %mul3A_342, %get3A_346 : vector<16xf32>
        %swap3A_348 = arith.constant 1 : i32
        %swap3A_349 = arith.index_cast %swap3A_348 : i32 to index
        %swap3A_350 = arith.index_cast %scan3A_280 : i32 to index
        %swap3A_351 = arith.constant 32 : index
        %swap3A_352 = tpu.vector_load %arg8[%swap3A_349, %swap3A_350, %swap3A_351] {strides = array<i32>} : memref<4x80x128xf32, #tpu.memory_space<vmem>>, vector<1x1x16xf32>,
        %swap3A_353 = vector.shape_cast %swap3A_352 : vector<1x1x16xf32> to vector<16xf32>
        %swap3A_354 = vector.shape_cast %add3A_347 : vector<16xf32> to vector<1x1x16xf32>
        tpu.vector_store %arg8[%swap3A_349, %swap3A_350, %swap3A_351], %swap3A_354 {strides = array<i32>} : memref<4x80x128xf32, #tpu.memory_space<vmem>>, vector<1x1x16xf32>,
        %get3A_355 = arith.constant 1 : i32
        %get3A_356 = arith.index_cast %get3A_355 : i32 to index
        %get3A_357 = arith.index_cast %scan3A_280 : i32 to index
        %get3A_358 = arith.constant 48 : index
        %get3A_359 = tpu.vector_load %arg8[%get3A_356, %get3A_357, %get3A_358] {strides = array<i32>} : memref<4x80x128xf32, #tpu.memory_space<vmem>>, vector<1x1x16xf32>,
        %get3A_360 = vector.shape_cast %get3A_359 : vector<1x1x16xf32> to vector<16xf32>
        %mul3A_361 = arith.constant 11.3137083 : f32
        %mul3A_362 = vector.broadcast %mul3A_361 : f32 to vector<16xf32>
        %mul3A_363 = arith.mulf %get3A_360, %mul3A_362 : vector<16xf32>
        %get3A_364 = arith.index_cast %add3A_293 : i32 to index
        %get3A_365 = arith.constant 48 : index
        %get3A_366 = tpu.vector_load %arg7[%get3A_364, %get3A_365] {strides = array<i32>} : memref<240x128xf32, #tpu.memory_space<vmem>>, vector<1x16xf32>,
        %get3A_367 = vector.shape_cast %get3A_366 : vector<1x16xf32> to vector<16xf32>
        %add3A_368 = arith.addf %mul3A_363, %get3A_367 : vector<16xf32>
        %swap3A_369 = arith.constant 1 : i32
        %swap3A_370 = arith.index_cast %swap3A_369 : i32 to index
        %swap3A_371 = arith.index_cast %scan3A_280 : i32 to index
        %swap3A_372 = arith.constant 48 : index
        %swap3A_373 = tpu.vector_load %arg8[%swap3A_370, %swap3A_371, %swap3A_372] {strides = array<i32>} : memref<4x80x128xf32, #tpu.memory_space<vmem>>, vector<1x1x16xf32>,
        %swap3A_374 = vector.shape_cast %swap3A_373 : vector<1x1x16xf32> to vector<16xf32>
        %swap3A_375 = vector.shape_cast %add3A_368 : vector<16xf32> to vector<1x1x16xf32>
        tpu.vector_store %arg8[%swap3A_370, %swap3A_371, %swap3A_372], %swap3A_375 {strides = array<i32>} : memref<4x80x128xf32, #tpu.memory_space<vmem>>, vector<1x1x16xf32>,
        %get3A_376 = arith.constant 1 : i32
        %get3A_377 = arith.index_cast %get3A_376 : i32 to index
        %get3A_378 = arith.index_cast %scan3A_280 : i32 to index
        %get3A_379 = arith.constant 64 : index
        %get3A_380 = tpu.vector_load %arg8[%get3A_377, %get3A_378, %get3A_379] {strides = array<i32>} : memref<4x80x128xf32, #tpu.memory_space<vmem>>, vector<1x1x16xf32>,
        %get3A_381 = vector.shape_cast %get3A_380 : vector<1x1x16xf32> to vector<16xf32>
        %mul3A_382 = arith.constant 11.3137083 : f32
        %mul3A_383 = vector.broadcast %mul3A_382 : f32 to vector<16xf32>
        %mul3A_384 = arith.mulf %get3A_381, %mul3A_383 : vector<16xf32>
        %get3A_385 = arith.index_cast %add3A_293 : i32 to index
        %get3A_386 = arith.constant 64 : index
        %get3A_387 = tpu.vector_load %arg7[%get3A_385, %get3A_386] {strides = array<i32>} : memref<240x128xf32, #tpu.memory_space<vmem>>, vector<1x16xf32>,
        %get3A_388 = vector.shape_cast %get3A_387 : vector<1x16xf32> to vector<16xf32>
        %add3A_389 = arith.addf %mul3A_384, %get3A_388 : vector<16xf32>
        %swap3A_390 = arith.constant 1 : i32
        %swap3A_391 = arith.index_cast %swap3A_390 : i32 to index
        %swap3A_392 = arith.index_cast %scan3A_280 : i32 to index
        %swap3A_393 = arith.constant 64 : index
        %swap3A_394 = tpu.vector_load %arg8[%swap3A_391, %swap3A_392, %swap3A_393] {strides = array<i32>} : memref<4x80x128xf32, #tpu.memory_space<vmem>>, vector<1x1x16xf32>,
        %swap3A_395 = vector.shape_cast %swap3A_394 : vector<1x1x16xf32> to vector<16xf32>
        %swap3A_396 = vector.shape_cast %add3A_389 : vector<16xf32> to vector<1x1x16xf32>
        tpu.vector_store %arg8[%swap3A_391, %swap3A_392, %swap3A_393], %swap3A_396 {strides = array<i32>} : memref<4x80x128xf32, #tpu.memory_space<vmem>>, vector<1x1x16xf32>,
        %get3A_397 = arith.constant 1 : i32
        %get3A_398 = arith.index_cast %get3A_397 : i32 to index
        %get3A_399 = arith.index_cast %scan3A_280 : i32 to index
        %get3A_400 = arith.constant 80 : index
        %get3A_401 = tpu.vector_load %arg8[%get3A_398, %get3A_399, %get3A_400] {strides = array<i32>} : memref<4x80x128xf32, #tpu.memory_space<vmem>>, vector<1x1x16xf32>,
        %get3A_402 = vector.shape_cast %get3A_401 : vector<1x1x16xf32> to vector<16xf32>
        %mul3A_403 = arith.constant 11.3137083 : f32
        %mul3A_404 = vector.broadcast %mul3A_403 : f32 to vector<16xf32>
        %mul3A_405 = arith.mulf %get3A_402, %mul3A_404 : vector<16xf32>
        %get3A_406 = arith.index_cast %add3A_293 : i32 to index
        %get3A_407 = arith.constant 80 : index
        %get3A_408 = tpu.vector_load %arg7[%get3A_406, %get3A_407] {strides = array<i32>} : memref<240x128xf32, #tpu.memory_space<vmem>>, vector<1x16xf32>,
        %get3A_409 = vector.shape_cast %get3A_408 : vector<1x16xf32> to vector<16xf32>
        %add3A_410 = arith.addf %mul3A_405, %get3A_409 : vector<16xf32>
        %swap3A_411 = arith.constant 1 : i32
        %swap3A_412 = arith.index_cast %swap3A_411 : i32 to index
        %swap3A_413 = arith.index_cast %scan3A_280 : i32 to index
        %swap3A_414 = arith.constant 80 : index
        %swap3A_415 = tpu.vector_load %arg8[%swap3A_412, %swap3A_413, %swap3A_414] {strides = array<i32>} : memref<4x80x128xf32, #tpu.memory_space<vmem>>, vector<1x1x16xf32>,
        %swap3A_416 = vector.shape_cast %swap3A_415 : vector<1x1x16xf32> to vector<16xf32>
        %swap3A_417 = vector.shape_cast %add3A_410 : vector<16xf32> to vector<1x1x16xf32>
        tpu.vector_store %arg8[%swap3A_412, %swap3A_413, %swap3A_414], %swap3A_417 {strides = array<i32>} : memref<4x80x128xf32, #tpu.memory_space<vmem>>, vector<1x1x16xf32>,
        %get3A_418 = arith.constant 1 : i32
        %get3A_419 = arith.index_cast %get3A_418 : i32 to index
        %get3A_420 = arith.index_cast %scan3A_280 : i32 to index
        %get3A_421 = arith.constant 96 : index
        %get3A_422 = tpu.vector_load %arg8[%get3A_419, %get3A_420, %get3A_421] {strides = array<i32>} : memref<4x80x128xf32, #tpu.memory_space<vmem>>, vector<1x1x16xf32>,
        %get3A_423 = vector.shape_cast %get3A_422 : vector<1x1x16xf32> to vector<16xf32>
        %mul3A_424 = arith.constant 11.3137083 : f32
        %mul3A_425 = vector.broadcast %mul3A_424 : f32 to vector<16xf32>
        %mul3A_426 = arith.mulf %get3A_423, %mul3A_425 : vector<16xf32>
        %get3A_427 = arith.index_cast %add3A_293 : i32 to index
        %get3A_428 = arith.constant 96 : index
        %get3A_429 = tpu.vector_load %arg7[%get3A_427, %get3A_428] {strides = array<i32>} : memref<240x128xf32, #tpu.memory_space<vmem>>, vector<1x16xf32>,
        %get3A_430 = vector.shape_cast %get3A_429 : vector<1x16xf32> to vector<16xf32>
        %add3A_431 = arith.addf %mul3A_426, %get3A_430 : vector<16xf32>
        %swap3A_432 = arith.constant 1 : i32
        %swap3A_433 = arith.index_cast %swap3A_432 : i32 to index
        %swap3A_434 = arith.index_cast %scan3A_280 : i32 to index
        %swap3A_435 = arith.constant 96 : index
        %swap3A_436 = tpu.vector_load %arg8[%swap3A_433, %swap3A_434, %swap3A_435] {strides = array<i32>} : memref<4x80x128xf32, #tpu.memory_space<vmem>>, vector<1x1x16xf32>,
        %swap3A_437 = vector.shape_cast %swap3A_436 : vector<1x1x16xf32> to vector<16xf32>
        %swap3A_438 = vector.shape_cast %add3A_431 : vector<16xf32> to vector<1x1x16xf32>
        tpu.vector_store %arg8[%swap3A_433, %swap3A_434, %swap3A_435], %swap3A_438 {strides = array<i32>} : memref<4x80x128xf32, #tpu.memory_space<vmem>>, vector<1x1x16xf32>,
        %get3A_439 = arith.constant 1 : i32
        %get3A_440 = arith.index_cast %get3A_439 : i32 to index
        %get3A_441 = arith.index_cast %scan3A_280 : i32 to index
        %get3A_442 = arith.constant 112 : index
        %get3A_443 = tpu.vector_load %arg8[%get3A_440, %get3A_441, %get3A_442] {strides = array<i32>} : memref<4x80x128xf32, #tpu.memory_space<vmem>>, vector<1x1x16xf32>,
        %get3A_444 = vector.shape_cast %get3A_443 : vector<1x1x16xf32> to vector<16xf32>
        %mul3A_445 = arith.constant 11.3137083 : f32
        %mul3A_446 = vector.broadcast %mul3A_445 : f32 to vector<16xf32>
        %mul3A_447 = arith.mulf %get3A_444, %mul3A_446 : vector<16xf32>
        %get3A_448 = arith.index_cast %add3A_293 : i32 to index
        %get3A_449 = arith.constant 112 : index
        %get3A_450 = tpu.vector_load %arg7[%get3A_448, %get3A_449] {strides = array<i32>} : memref<240x128xf32, #tpu.memory_space<vmem>>, vector<1x16xf32>,
        %get3A_451 = vector.shape_cast %get3A_450 : vector<1x16xf32> to vector<16xf32>
        %add3A_452 = arith.addf %mul3A_447, %get3A_451 : vector<16xf32>
        %swap3A_453 = arith.constant 1 : i32
        %swap3A_454 = arith.index_cast %swap3A_453 : i32 to index
        %swap3A_455 = arith.index_cast %scan3A_280 : i32 to index
        %swap3A_456 = arith.constant 112 : index
        %swap3A_457 = tpu.vector_load %arg8[%swap3A_454, %swap3A_455, %swap3A_456] {strides = array<i32>} : memref<4x80x128xf32, #tpu.memory_space<vmem>>, vector<1x1x16xf32>,
        %swap3A_458 = vector.shape_cast %swap3A_457 : vector<1x1x16xf32> to vector<16xf32>
        %swap3A_459 = vector.shape_cast %add3A_452 : vector<16xf32> to vector<1x1x16xf32>
        tpu.vector_store %arg8[%swap3A_454, %swap3A_455, %swap3A_456], %swap3A_459 {strides = array<i32>} : memref<4x80x128xf32, #tpu.memory_space<vmem>>, vector<1x1x16xf32>,
      }
      %scan3A_160 = arith.constant 80 : i32
      %add3A_161 = arith.addi %mul3A_2, %add3A_139 : i32
      %mul3A_162 = arith.constant 80 : i32
      %mul3A_163 = arith.muli %add3A_161, %mul3A_162 : i32
      %dma_start3A_164 = arith.constant 1 : i32
      %dma_start3A_165 = arith.constant 0 : i32
      %dma_start3A_166 = arith.constant 0 : i32
      %dma_start3A_167 = tpu.memref_slice %arg8[%dma_start3A_164, %dma_start3A_165, %dma_start3A_166] : memref<4x80x128xf32, #tpu.memory_space<vmem>> -> memref<1x80x128xf32, #tpu.memory_space<vmem>>
      %dma_start3A_168 = tpu.memref_squeeze %dma_start3A_167 : memref<1x80x128xf32, #tpu.memory_space<vmem>> -> memref<80x128xf32, #tpu.memory_space<vmem>>
      %dma_start3A_169 = arith.constant 0 : i32
      %dma_start3A_170 = tpu.memref_slice %arg5[%mul3A_163, %dma_start3A_169] : memref<819200x128xf32, #tpu.memory_space<hbm>> -> memref<80x128xf32, #tpu.memory_space<hbm>>
      %dma_start3A_171 = arith.constant 0 : i32
      %dma_start3A_172 = tpu.memref_slice %arg5[%mul3A_163, %dma_start3A_171] : memref<819200x128xf32, #tpu.memory_space<hbm>> -> memref<80x128xf32, #tpu.memory_space<hbm>>
      %dma_start3A_173 = arith.constant 0 : i32
      %dma_start3A_174 = arith.constant 0 : i32
      %dma_start3A_175 = tpu.memref_slice %arg8[%dma_start3A_164, %dma_start3A_173, %dma_start3A_174] : memref<4x80x128xf32, #tpu.memory_space<vmem>> -> memref<1x80x128xf32, #tpu.memory_space<vmem>>
      %dma_start3A_176 = tpu.memref_squeeze %dma_start3A_175 : memref<1x80x128xf32, #tpu.memory_space<vmem>> -> memref<80x128xf32, #tpu.memory_space<vmem>>
      tpu.enqueue_dma source(%dma_start3A_176 : memref<80x128xf32, #tpu.memory_space<vmem>>) target(%dma_start3A_172 : memref<80x128xf32, #tpu.memory_space<hbm>>) target_semaphore(%arg14 : memref<!tpu.dma_semaphore, #tpu.memory_space<semaphore_mem>>)
      %add3A_177 = arith.constant 2 : i32
      %add3A_178 = arith.addi %add3A_139, %add3A_177 : i32
      %lt3A_179 = arith.constant 320 : i32
      %lt3A_180 = arith.cmpi slt, %add3A_178, %lt3A_179 : i32
      %convert_element_type3A_181 = arith.extui %lt3A_180 : i1 to i32
      %cond3A_182 = arith.constant 0 : i32
      %cond3A_183 = arith.cmpi ne, %convert_element_type3A_181, %cond3A_182 : i32
      scf.if %cond3A_183 {
        %sub3A = arith.constant 4 : i32
        %sub3A_280 = arith.subi %add3A_178, %sub3A : i32
        %ge3A = arith.constant 0 : i32
        %ge3A_281 = arith.cmpi sge, %sub3A_280, %ge3A : i32
        %convert_element_type3A_282 = arith.extui %ge3A_281 : i1 to i32
        %cond3A_283 = arith.constant 0 : i32
        %cond3A_284 = arith.cmpi ne, %convert_element_type3A_282, %cond3A_283 : i32
        scf.if %cond3A_284 {
          %dma_wait3A_296 = arith.constant 3 : i32
          %dma_wait3A_297 = arith.constant 0 : i32
          %dma_wait3A_298 = arith.constant 0 : i32
          %dma_wait3A_299 = tpu.memref_slice %arg8[%dma_wait3A_296, %dma_wait3A_297, %dma_wait3A_298] : memref<4x80x128xf32, #tpu.memory_space<vmem>> -> memref<1x80x128xf32, #tpu.memory_space<vmem>>
          %dma_wait3A_300 = tpu.memref_squeeze %dma_wait3A_299 : memref<1x80x128xf32, #tpu.memory_space<vmem>> -> memref<80x128xf32, #tpu.memory_space<vmem>>
          %dma_wait3A_301 = arith.constant 0 : i32
          %dma_wait3A_302 = arith.constant 0 : i32
          %dma_wait3A_303 = tpu.memref_slice %arg5[%dma_wait3A_301, %dma_wait3A_302] : memref<819200x128xf32, #tpu.memory_space<hbm>> -> memref<80x128xf32, #tpu.memory_space<hbm>>
          %dma_wait3A_304 = arith.constant 0 : i32
          %dma_wait3A_305 = arith.constant 0 : i32
          %dma_wait3A_306 = tpu.memref_slice %arg5[%dma_wait3A_304, %dma_wait3A_305] : memref<819200x128xf32, #tpu.memory_space<hbm>> -> memref<80x128xf32, #tpu.memory_space<hbm>>
          %dma_wait3A_307 = arith.constant 0 : i32
          %dma_wait3A_308 = arith.constant 0 : i32
          %dma_wait3A_309 = tpu.memref_slice %arg8[%dma_wait3A_296, %dma_wait3A_307, %dma_wait3A_308] : memref<4x80x128xf32, #tpu.memory_space<vmem>> -> memref<1x80x128xf32, #tpu.memory_space<vmem>>
          %dma_wait3A_310 = tpu.memref_squeeze %dma_wait3A_309 : memref<1x80x128xf32, #tpu.memory_space<vmem>> -> memref<80x128xf32, #tpu.memory_space<vmem>>
          tpu.wait_dma2 semaphore(%arg16 : memref<!tpu.dma_semaphore, #tpu.memory_space<semaphore_mem>>) src(%dma_wait3A_310 : memref<80x128xf32, #tpu.memory_space<vmem>>) dst(%dma_wait3A_306 : memref<80x128xf32, #tpu.memory_space<hbm>>)
        } else {
        }
        %dma_start3A_285 = arith.constant 3 : i32
        %dma_start3A_286 = arith.constant 0 : i32
        %dma_start3A_287 = arith.constant 0 : i32
        %dma_start3A_288 = tpu.memref_slice %arg8[%dma_start3A_285, %dma_start3A_286, %dma_start3A_287] : memref<4x80x128xf32, #tpu.memory_space<vmem>> -> memref<1x80x128xf32, #tpu.memory_space<vmem>>
        %dma_start3A_289 = tpu.memref_squeeze %dma_start3A_288 : memref<1x80x128xf32, #tpu.memory_space<vmem>> -> memref<80x128xf32, #tpu.memory_space<vmem>>
        %dma_start3A_290 = arith.constant 0 : i32
        %dma_start3A_291 = tpu.memref_slice %arg6[%add3A_178, %dma_start3A_290] : memref<320x80xi32, #tpu.memory_space<vmem>> -> memref<1x80xi32, #tpu.memory_space<vmem>>
        %dma_start3A_292 = tpu.memref_squeeze %dma_start3A_291 : memref<1x80xi32, #tpu.memory_space<vmem>> -> memref<80xi32, #tpu.memory_space<vmem>>
        %dma_start3A_293 = arith.constant 0 : i32
        %dma_start3A_294 = arith.constant 0 : i32
        %dma_start3A_295 = tpu.memref_slice %arg2[%dma_start3A_293, %dma_start3A_294] : memref<1000000x128xf32, #tpu.memory_space<hbm>> -> memref<1000000x128xf32, #tpu.memory_space<hbm>>
        tpu.enqueue_indirect_dma source(%dma_start3A_295 : memref<1000000x128xf32, #tpu.memory_space<hbm>>) target(%dma_start3A_289 : memref<80x128xf32, #tpu.memory_space<vmem>>) offsets(%dma_start3A_292 : memref<80xi32, #tpu.memory_space<vmem>>) semaphore(%arg12 : memref<!tpu.dma_semaphore, #tpu.memory_space<semaphore_mem>>)
      } else {
      }
      %mul3A_184 = arith.constant 4 : i32
      %mul3A_185 = arith.muli %scan3A_90, %mul3A_184 : i32
      %add3A_186 = arith.constant 2 : i32
      %add3A_187 = arith.addi %mul3A_185, %add3A_186 : i32
      %dma_wait3A_188 = arith.constant 2 : i32
      %dma_wait3A_189 = arith.constant 0 : i32
      %dma_wait3A_190 = arith.constant 0 : i32
      %dma_wait3A_191 = tpu.memref_slice %arg8[%dma_wait3A_188, %dma_wait3A_189, %dma_wait3A_190] : memref<4x80x128xf32, #tpu.memory_space<vmem>> -> memref<1x80x128xf32, #tpu.memory_space<vmem>>
      %dma_wait3A_192 = tpu.memref_squeeze %dma_wait3A_191 : memref<1x80x128xf32, #tpu.memory_space<vmem>> -> memref<80x128xf32, #tpu.memory_space<vmem>>
      %dma_wait3A_193 = arith.constant 0 : i32
      %dma_wait3A_194 = arith.constant 0 : i32
      %dma_wait3A_195 = tpu.memref_slice %arg5[%dma_wait3A_193, %dma_wait3A_194] : memref<819200x128xf32, #tpu.memory_space<hbm>> -> memref<80x128xf32, #tpu.memory_space<hbm>>
      %dma_wait3A_196 = arith.constant 0 : i32
      %dma_wait3A_197 = arith.constant 0 : i32
      %dma_wait3A_198 = tpu.memref_slice %arg8[%dma_wait3A_188, %dma_wait3A_196, %dma_wait3A_197] : memref<4x80x128xf32, #tpu.memory_space<vmem>> -> memref<1x80x128xf32, #tpu.memory_space<vmem>>
      %dma_wait3A_199 = tpu.memref_squeeze %dma_wait3A_198 : memref<1x80x128xf32, #tpu.memory_space<vmem>> -> memref<80x128xf32, #tpu.memory_space<vmem>>
      %dma_wait3A_200 = arith.constant 0 : i32
      %dma_wait3A_201 = arith.constant 0 : i32
      %dma_wait3A_202 = tpu.memref_slice %arg5[%dma_wait3A_200, %dma_wait3A_201] : memref<819200x128xf32, #tpu.memory_space<hbm>> -> memref<80x128xf32, #tpu.memory_space<hbm>>
      tpu.wait_dma2 semaphore(%arg11 : memref<!tpu.dma_semaphore, #tpu.memory_space<semaphore_mem>>) src(%dma_wait3A_202 : memref<80x128xf32, #tpu.memory_space<hbm>>) dst(%dma_wait3A_199 : memref<80x128xf32, #tpu.memory_space<vmem>>)
      %scan3A_203 = arith.constant 0 : i32
      %scan3A_204 = arith.constant 0 : i32
      %scan3A_205 = arith.constant 80 : i32
      %scan3A_206 = arith.addi %scan3A_204, %scan3A_205 : i32
      %scan3A_207 = arith.constant 1 : i32
      scf.for %scan3A_280 = %scan3A_204 to %scan3A_206 step %scan3A_207  : i32 {
        %mul3A_281 = arith.constant 80 : i32
        %mul3A_282 = arith.muli %add3A_187, %mul3A_281 : i32
        %jit3A = arith.constant 200 : i32
        %eq3A = arith.constant 0 : i32
        %eq3A_283 = arith.cmpi eq, %jit3A, %eq3A : i32
        %jit3A_284 = arith.constant 1 : i32
        %select_n3A = arith.select %eq3A_283, %jit3A_284, %jit3A : i32
        %rem3A = arith.remsi %mul3A_282, %select_n3A : i32
        %ne3A = arith.constant 0 : i32
        %ne3A_285 = arith.cmpi ne, %rem3A, %ne3A : i32
        %lt3A_286 = arith.constant 0 : i32
        %lt3A_287 = arith.cmpi slt, %rem3A, %lt3A_286 : i32
        %lt3A_288 = arith.constant 0 : i32
        %lt3A_289 = arith.cmpi slt, %select_n3A, %lt3A_288 : i32
        %ne3A_290 = arith.xori %lt3A_287, %lt3A_289 : i1
        %and3A = arith.andi %ne3A_290, %ne3A_285 : i1
        %add3A_291 = arith.addi %rem3A, %select_n3A : i32
        %select_n3A_292 = arith.select %and3A, %add3A_291, %rem3A : i32
        %add3A_293 = arith.addi %select_n3A_292, %scan3A_280 : i32
        %get3A = arith.constant 2 : i32
        %get3A_294 = arith.index_cast %get3A : i32 to index
        %get3A_295 = arith.index_cast %scan3A_280 : i32 to index
        %get3A_296 = arith.constant 0 : index
        %get3A_297 = tpu.vector_load %arg8[%get3A_294, %get3A_295, %get3A_296] {strides = array<i32>} : memref<4x80x128xf32, #tpu.memory_space<vmem>>, vector<1x1x16xf32>,
        %get3A_298 = vector.shape_cast %get3A_297 : vector<1x1x16xf32> to vector<16xf32>
        %mul3A_299 = arith.constant 11.3137083 : f32
        %mul3A_300 = vector.broadcast %mul3A_299 : f32 to vector<16xf32>
        %mul3A_301 = arith.mulf %get3A_298, %mul3A_300 : vector<16xf32>
        %get3A_302 = arith.index_cast %add3A_293 : i32 to index
        %get3A_303 = arith.constant 0 : index
        %get3A_304 = tpu.vector_load %arg7[%get3A_302, %get3A_303] {strides = array<i32>} : memref<240x128xf32, #tpu.memory_space<vmem>>, vector<1x16xf32>,
        %get3A_305 = vector.shape_cast %get3A_304 : vector<1x16xf32> to vector<16xf32>
        %add3A_306 = arith.addf %mul3A_301, %get3A_305 : vector<16xf32>
        %swap3A = arith.constant 2 : i32
        %swap3A_307 = arith.index_cast %swap3A : i32 to index
        %swap3A_308 = arith.index_cast %scan3A_280 : i32 to index
        %swap3A_309 = arith.constant 0 : index
        %swap3A_310 = tpu.vector_load %arg8[%swap3A_307, %swap3A_308, %swap3A_309] {strides = array<i32>} : memref<4x80x128xf32, #tpu.memory_space<vmem>>, vector<1x1x16xf32>,
        %swap3A_311 = vector.shape_cast %swap3A_310 : vector<1x1x16xf32> to vector<16xf32>
        %swap3A_312 = vector.shape_cast %add3A_306 : vector<16xf32> to vector<1x1x16xf32>
        tpu.vector_store %arg8[%swap3A_307, %swap3A_308, %swap3A_309], %swap3A_312 {strides = array<i32>} : memref<4x80x128xf32, #tpu.memory_space<vmem>>, vector<1x1x16xf32>,
        %get3A_313 = arith.constant 2 : i32
        %get3A_314 = arith.index_cast %get3A_313 : i32 to index
        %get3A_315 = arith.index_cast %scan3A_280 : i32 to index
        %get3A_316 = arith.constant 16 : index
        %get3A_317 = tpu.vector_load %arg8[%get3A_314, %get3A_315, %get3A_316] {strides = array<i32>} : memref<4x80x128xf32, #tpu.memory_space<vmem>>, vector<1x1x16xf32>,
        %get3A_318 = vector.shape_cast %get3A_317 : vector<1x1x16xf32> to vector<16xf32>
        %mul3A_319 = arith.constant 11.3137083 : f32
        %mul3A_320 = vector.broadcast %mul3A_319 : f32 to vector<16xf32>
        %mul3A_321 = arith.mulf %get3A_318, %mul3A_320 : vector<16xf32>
        %get3A_322 = arith.index_cast %add3A_293 : i32 to index
        %get3A_323 = arith.constant 16 : index
        %get3A_324 = tpu.vector_load %arg7[%get3A_322, %get3A_323] {strides = array<i32>} : memref<240x128xf32, #tpu.memory_space<vmem>>, vector<1x16xf32>,
        %get3A_325 = vector.shape_cast %get3A_324 : vector<1x16xf32> to vector<16xf32>
        %add3A_326 = arith.addf %mul3A_321, %get3A_325 : vector<16xf32>
        %swap3A_327 = arith.constant 2 : i32
        %swap3A_328 = arith.index_cast %swap3A_327 : i32 to index
        %swap3A_329 = arith.index_cast %scan3A_280 : i32 to index
        %swap3A_330 = arith.constant 16 : index
        %swap3A_331 = tpu.vector_load %arg8[%swap3A_328, %swap3A_329, %swap3A_330] {strides = array<i32>} : memref<4x80x128xf32, #tpu.memory_space<vmem>>, vector<1x1x16xf32>,
        %swap3A_332 = vector.shape_cast %swap3A_331 : vector<1x1x16xf32> to vector<16xf32>
        %swap3A_333 = vector.shape_cast %add3A_326 : vector<16xf32> to vector<1x1x16xf32>
        tpu.vector_store %arg8[%swap3A_328, %swap3A_329, %swap3A_330], %swap3A_333 {strides = array<i32>} : memref<4x80x128xf32, #tpu.memory_space<vmem>>, vector<1x1x16xf32>,
        %get3A_334 = arith.constant 2 : i32
        %get3A_335 = arith.index_cast %get3A_334 : i32 to index
        %get3A_336 = arith.index_cast %scan3A_280 : i32 to index
        %get3A_337 = arith.constant 32 : index
        %get3A_338 = tpu.vector_load %arg8[%get3A_335, %get3A_336, %get3A_337] {strides = array<i32>} : memref<4x80x128xf32, #tpu.memory_space<vmem>>, vector<1x1x16xf32>,
        %get3A_339 = vector.shape_cast %get3A_338 : vector<1x1x16xf32> to vector<16xf32>
        %mul3A_340 = arith.constant 11.3137083 : f32
        %mul3A_341 = vector.broadcast %mul3A_340 : f32 to vector<16xf32>
        %mul3A_342 = arith.mulf %get3A_339, %mul3A_341 : vector<16xf32>
        %get3A_343 = arith.index_cast %add3A_293 : i32 to index
        %get3A_344 = arith.constant 32 : index
        %get3A_345 = tpu.vector_load %arg7[%get3A_343, %get3A_344] {strides = array<i32>} : memref<240x128xf32, #tpu.memory_space<vmem>>, vector<1x16xf32>,
        %get3A_346 = vector.shape_cast %get3A_345 : vector<1x16xf32> to vector<16xf32>
        %add3A_347 = arith.addf %mul3A_342, %get3A_346 : vector<16xf32>
        %swap3A_348 = arith.constant 2 : i32
        %swap3A_349 = arith.index_cast %swap3A_348 : i32 to index
        %swap3A_350 = arith.index_cast %scan3A_280 : i32 to index
        %swap3A_351 = arith.constant 32 : index
        %swap3A_352 = tpu.vector_load %arg8[%swap3A_349, %swap3A_350, %swap3A_351] {strides = array<i32>} : memref<4x80x128xf32, #tpu.memory_space<vmem>>, vector<1x1x16xf32>,
        %swap3A_353 = vector.shape_cast %swap3A_352 : vector<1x1x16xf32> to vector<16xf32>
        %swap3A_354 = vector.shape_cast %add3A_347 : vector<16xf32> to vector<1x1x16xf32>
        tpu.vector_store %arg8[%swap3A_349, %swap3A_350, %swap3A_351], %swap3A_354 {strides = array<i32>} : memref<4x80x128xf32, #tpu.memory_space<vmem>>, vector<1x1x16xf32>,
        %get3A_355 = arith.constant 2 : i32
        %get3A_356 = arith.index_cast %get3A_355 : i32 to index
        %get3A_357 = arith.index_cast %scan3A_280 : i32 to index
        %get3A_358 = arith.constant 48 : index
        %get3A_359 = tpu.vector_load %arg8[%get3A_356, %get3A_357, %get3A_358] {strides = array<i32>} : memref<4x80x128xf32, #tpu.memory_space<vmem>>, vector<1x1x16xf32>,
        %get3A_360 = vector.shape_cast %get3A_359 : vector<1x1x16xf32> to vector<16xf32>
        %mul3A_361 = arith.constant 11.3137083 : f32
        %mul3A_362 = vector.broadcast %mul3A_361 : f32 to vector<16xf32>
        %mul3A_363 = arith.mulf %get3A_360, %mul3A_362 : vector<16xf32>
        %get3A_364 = arith.index_cast %add3A_293 : i32 to index
        %get3A_365 = arith.constant 48 : index
        %get3A_366 = tpu.vector_load %arg7[%get3A_364, %get3A_365] {strides = array<i32>} : memref<240x128xf32, #tpu.memory_space<vmem>>, vector<1x16xf32>,
        %get3A_367 = vector.shape_cast %get3A_366 : vector<1x16xf32> to vector<16xf32>
        %add3A_368 = arith.addf %mul3A_363, %get3A_367 : vector<16xf32>
        %swap3A_369 = arith.constant 2 : i32
        %swap3A_370 = arith.index_cast %swap3A_369 : i32 to index
        %swap3A_371 = arith.index_cast %scan3A_280 : i32 to index
        %swap3A_372 = arith.constant 48 : index
        %swap3A_373 = tpu.vector_load %arg8[%swap3A_370, %swap3A_371, %swap3A_372] {strides = array<i32>} : memref<4x80x128xf32, #tpu.memory_space<vmem>>, vector<1x1x16xf32>,
        %swap3A_374 = vector.shape_cast %swap3A_373 : vector<1x1x16xf32> to vector<16xf32>
        %swap3A_375 = vector.shape_cast %add3A_368 : vector<16xf32> to vector<1x1x16xf32>
        tpu.vector_store %arg8[%swap3A_370, %swap3A_371, %swap3A_372], %swap3A_375 {strides = array<i32>} : memref<4x80x128xf32, #tpu.memory_space<vmem>>, vector<1x1x16xf32>,
        %get3A_376 = arith.constant 2 : i32
        %get3A_377 = arith.index_cast %get3A_376 : i32 to index
        %get3A_378 = arith.index_cast %scan3A_280 : i32 to index
        %get3A_379 = arith.constant 64 : index
        %get3A_380 = tpu.vector_load %arg8[%get3A_377, %get3A_378, %get3A_379] {strides = array<i32>} : memref<4x80x128xf32, #tpu.memory_space<vmem>>, vector<1x1x16xf32>,
        %get3A_381 = vector.shape_cast %get3A_380 : vector<1x1x16xf32> to vector<16xf32>
        %mul3A_382 = arith.constant 11.3137083 : f32
        %mul3A_383 = vector.broadcast %mul3A_382 : f32 to vector<16xf32>
        %mul3A_384 = arith.mulf %get3A_381, %mul3A_383 : vector<16xf32>
        %get3A_385 = arith.index_cast %add3A_293 : i32 to index
        %get3A_386 = arith.constant 64 : index
        %get3A_387 = tpu.vector_load %arg7[%get3A_385, %get3A_386] {strides = array<i32>} : memref<240x128xf32, #tpu.memory_space<vmem>>, vector<1x16xf32>,
        %get3A_388 = vector.shape_cast %get3A_387 : vector<1x16xf32> to vector<16xf32>
        %add3A_389 = arith.addf %mul3A_384, %get3A_388 : vector<16xf32>
        %swap3A_390 = arith.constant 2 : i32
        %swap3A_391 = arith.index_cast %swap3A_390 : i32 to index
        %swap3A_392 = arith.index_cast %scan3A_280 : i32 to index
        %swap3A_393 = arith.constant 64 : index
        %swap3A_394 = tpu.vector_load %arg8[%swap3A_391, %swap3A_392, %swap3A_393] {strides = array<i32>} : memref<4x80x128xf32, #tpu.memory_space<vmem>>, vector<1x1x16xf32>,
        %swap3A_395 = vector.shape_cast %swap3A_394 : vector<1x1x16xf32> to vector<16xf32>
        %swap3A_396 = vector.shape_cast %add3A_389 : vector<16xf32> to vector<1x1x16xf32>
        tpu.vector_store %arg8[%swap3A_391, %swap3A_392, %swap3A_393], %swap3A_396 {strides = array<i32>} : memref<4x80x128xf32, #tpu.memory_space<vmem>>, vector<1x1x16xf32>,
        %get3A_397 = arith.constant 2 : i32
        %get3A_398 = arith.index_cast %get3A_397 : i32 to index
        %get3A_399 = arith.index_cast %scan3A_280 : i32 to index
        %get3A_400 = arith.constant 80 : index
        %get3A_401 = tpu.vector_load %arg8[%get3A_398, %get3A_399, %get3A_400] {strides = array<i32>} : memref<4x80x128xf32, #tpu.memory_space<vmem>>, vector<1x1x16xf32>,
        %get3A_402 = vector.shape_cast %get3A_401 : vector<1x1x16xf32> to vector<16xf32>
        %mul3A_403 = arith.constant 11.3137083 : f32
        %mul3A_404 = vector.broadcast %mul3A_403 : f32 to vector<16xf32>
        %mul3A_405 = arith.mulf %get3A_402, %mul3A_404 : vector<16xf32>
        %get3A_406 = arith.index_cast %add3A_293 : i32 to index
        %get3A_407 = arith.constant 80 : index
        %get3A_408 = tpu.vector_load %arg7[%get3A_406, %get3A_407] {strides = array<i32>} : memref<240x128xf32, #tpu.memory_space<vmem>>, vector<1x16xf32>,
        %get3A_409 = vector.shape_cast %get3A_408 : vector<1x16xf32> to vector<16xf32>
        %add3A_410 = arith.addf %mul3A_405, %get3A_409 : vector<16xf32>
        %swap3A_411 = arith.constant 2 : i32
        %swap3A_412 = arith.index_cast %swap3A_411 : i32 to index
        %swap3A_413 = arith.index_cast %scan3A_280 : i32 to index
        %swap3A_414 = arith.constant 80 : index
        %swap3A_415 = tpu.vector_load %arg8[%swap3A_412, %swap3A_413, %swap3A_414] {strides = array<i32>} : memref<4x80x128xf32, #tpu.memory_space<vmem>>, vector<1x1x16xf32>,
        %swap3A_416 = vector.shape_cast %swap3A_415 : vector<1x1x16xf32> to vector<16xf32>
        %swap3A_417 = vector.shape_cast %add3A_410 : vector<16xf32> to vector<1x1x16xf32>
        tpu.vector_store %arg8[%swap3A_412, %swap3A_413, %swap3A_414], %swap3A_417 {strides = array<i32>} : memref<4x80x128xf32, #tpu.memory_space<vmem>>, vector<1x1x16xf32>,
        %get3A_418 = arith.constant 2 : i32
        %get3A_419 = arith.index_cast %get3A_418 : i32 to index
        %get3A_420 = arith.index_cast %scan3A_280 : i32 to index
        %get3A_421 = arith.constant 96 : index
        %get3A_422 = tpu.vector_load %arg8[%get3A_419, %get3A_420, %get3A_421] {strides = array<i32>} : memref<4x80x128xf32, #tpu.memory_space<vmem>>, vector<1x1x16xf32>,
        %get3A_423 = vector.shape_cast %get3A_422 : vector<1x1x16xf32> to vector<16xf32>
        %mul3A_424 = arith.constant 11.3137083 : f32
        %mul3A_425 = vector.broadcast %mul3A_424 : f32 to vector<16xf32>
        %mul3A_426 = arith.mulf %get3A_423, %mul3A_425 : vector<16xf32>
        %get3A_427 = arith.index_cast %add3A_293 : i32 to index
        %get3A_428 = arith.constant 96 : index
        %get3A_429 = tpu.vector_load %arg7[%get3A_427, %get3A_428] {strides = array<i32>} : memref<240x128xf32, #tpu.memory_space<vmem>>, vector<1x16xf32>,
        %get3A_430 = vector.shape_cast %get3A_429 : vector<1x16xf32> to vector<16xf32>
        %add3A_431 = arith.addf %mul3A_426, %get3A_430 : vector<16xf32>
        %swap3A_432 = arith.constant 2 : i32
        %swap3A_433 = arith.index_cast %swap3A_432 : i32 to index
        %swap3A_434 = arith.index_cast %scan3A_280 : i32 to index
        %swap3A_435 = arith.constant 96 : index
        %swap3A_436 = tpu.vector_load %arg8[%swap3A_433, %swap3A_434, %swap3A_435] {strides = array<i32>} : memref<4x80x128xf32, #tpu.memory_space<vmem>>, vector<1x1x16xf32>,
        %swap3A_437 = vector.shape_cast %swap3A_436 : vector<1x1x16xf32> to vector<16xf32>
        %swap3A_438 = vector.shape_cast %add3A_431 : vector<16xf32> to vector<1x1x16xf32>
        tpu.vector_store %arg8[%swap3A_433, %swap3A_434, %swap3A_435], %swap3A_438 {strides = array<i32>} : memref<4x80x128xf32, #tpu.memory_space<vmem>>, vector<1x1x16xf32>,
        %get3A_439 = arith.constant 2 : i32
        %get3A_440 = arith.index_cast %get3A_439 : i32 to index
        %get3A_441 = arith.index_cast %scan3A_280 : i32 to index
        %get3A_442 = arith.constant 112 : index
        %get3A_443 = tpu.vector_load %arg8[%get3A_440, %get3A_441, %get3A_442] {strides = array<i32>} : memref<4x80x128xf32, #tpu.memory_space<vmem>>, vector<1x1x16xf32>,
        %get3A_444 = vector.shape_cast %get3A_443 : vector<1x1x16xf32> to vector<16xf32>
        %mul3A_445 = arith.constant 11.3137083 : f32
        %mul3A_446 = vector.broadcast %mul3A_445 : f32 to vector<16xf32>
        %mul3A_447 = arith.mulf %get3A_444, %mul3A_446 : vector<16xf32>
        %get3A_448 = arith.index_cast %add3A_293 : i32 to index
        %get3A_449 = arith.constant 112 : index
        %get3A_450 = tpu.vector_load %arg7[%get3A_448, %get3A_449] {strides = array<i32>} : memref<240x128xf32, #tpu.memory_space<vmem>>, vector<1x16xf32>,
        %get3A_451 = vector.shape_cast %get3A_450 : vector<1x16xf32> to vector<16xf32>
        %add3A_452 = arith.addf %mul3A_447, %get3A_451 : vector<16xf32>
        %swap3A_453 = arith.constant 2 : i32
        %swap3A_454 = arith.index_cast %swap3A_453 : i32 to index
        %swap3A_455 = arith.index_cast %scan3A_280 : i32 to index
        %swap3A_456 = arith.constant 112 : index
        %swap3A_457 = tpu.vector_load %arg8[%swap3A_454, %swap3A_455, %swap3A_456] {strides = array<i32>} : memref<4x80x128xf32, #tpu.memory_space<vmem>>, vector<1x1x16xf32>,
        %swap3A_458 = vector.shape_cast %swap3A_457 : vector<1x1x16xf32> to vector<16xf32>
        %swap3A_459 = vector.shape_cast %add3A_452 : vector<16xf32> to vector<1x1x16xf32>
        tpu.vector_store %arg8[%swap3A_454, %swap3A_455, %swap3A_456], %swap3A_459 {strides = array<i32>} : memref<4x80x128xf32, #tpu.memory_space<vmem>>, vector<1x1x16xf32>,
      }
      %scan3A_208 = arith.constant 80 : i32
      %add3A_209 = arith.addi %mul3A_2, %add3A_187 : i32
      %mul3A_210 = arith.constant 80 : i32
      %mul3A_211 = arith.muli %add3A_209, %mul3A_210 : i32
      %dma_start3A_212 = arith.constant 2 : i32
      %dma_start3A_213 = arith.constant 0 : i32
      %dma_start3A_214 = arith.constant 0 : i32
      %dma_start3A_215 = tpu.memref_slice %arg8[%dma_start3A_212, %dma_start3A_213, %dma_start3A_214] : memref<4x80x128xf32, #tpu.memory_space<vmem>> -> memref<1x80x128xf32, #tpu.memory_space<vmem>>
      %dma_start3A_216 = tpu.memref_squeeze %dma_start3A_215 : memref<1x80x128xf32, #tpu.memory_space<vmem>> -> memref<80x128xf32, #tpu.memory_space<vmem>>
      %dma_start3A_217 = arith.constant 0 : i32
      %dma_start3A_218 = tpu.memref_slice %arg5[%mul3A_211, %dma_start3A_217] : memref<819200x128xf32, #tpu.memory_space<hbm>> -> memref<80x128xf32, #tpu.memory_space<hbm>>
      %dma_start3A_219 = arith.constant 0 : i32
      %dma_start3A_220 = tpu.memref_slice %arg5[%mul3A_211, %dma_start3A_219] : memref<819200x128xf32, #tpu.memory_space<hbm>> -> memref<80x128xf32, #tpu.memory_space<hbm>>
      %dma_start3A_221 = arith.constant 0 : i32
      %dma_start3A_222 = arith.constant 0 : i32
      %dma_start3A_223 = tpu.memref_slice %arg8[%dma_start3A_212, %dma_start3A_221, %dma_start3A_222] : memref<4x80x128xf32, #tpu.memory_space<vmem>> -> memref<1x80x128xf32, #tpu.memory_space<vmem>>
      %dma_start3A_224 = tpu.memref_squeeze %dma_start3A_223 : memref<1x80x128xf32, #tpu.memory_space<vmem>> -> memref<80x128xf32, #tpu.memory_space<vmem>>
      tpu.enqueue_dma source(%dma_start3A_224 : memref<80x128xf32, #tpu.memory_space<vmem>>) target(%dma_start3A_220 : memref<80x128xf32, #tpu.memory_space<hbm>>) target_semaphore(%arg15 : memref<!tpu.dma_semaphore, #tpu.memory_space<semaphore_mem>>)
      %add3A_225 = arith.constant 2 : i32
      %add3A_226 = arith.addi %add3A_187, %add3A_225 : i32
      %lt3A_227 = arith.constant 320 : i32
      %lt3A_228 = arith.cmpi slt, %add3A_226, %lt3A_227 : i32
      %convert_element_type3A_229 = arith.extui %lt3A_228 : i1 to i32
      %cond3A_230 = arith.constant 0 : i32
      %cond3A_231 = arith.cmpi ne, %convert_element_type3A_229, %cond3A_230 : i32
      scf.if %cond3A_231 {
        %sub3A = arith.constant 4 : i32
        %sub3A_280 = arith.subi %add3A_226, %sub3A : i32
        %ge3A = arith.constant 0 : i32
        %ge3A_281 = arith.cmpi sge, %sub3A_280, %ge3A : i32
        %convert_element_type3A_282 = arith.extui %ge3A_281 : i1 to i32
        %cond3A_283 = arith.constant 0 : i32
        %cond3A_284 = arith.cmpi ne, %convert_element_type3A_282, %cond3A_283 : i32
        scf.if %cond3A_284 {
          %dma_wait3A_296 = arith.constant 0 : i32
          %dma_wait3A_297 = arith.constant 0 : i32
          %dma_wait3A_298 = arith.constant 0 : i32
          %dma_wait3A_299 = tpu.memref_slice %arg8[%dma_wait3A_296, %dma_wait3A_297, %dma_wait3A_298] : memref<4x80x128xf32, #tpu.memory_space<vmem>> -> memref<1x80x128xf32, #tpu.memory_space<vmem>>
          %dma_wait3A_300 = tpu.memref_squeeze %dma_wait3A_299 : memref<1x80x128xf32, #tpu.memory_space<vmem>> -> memref<80x128xf32, #tpu.memory_space<vmem>>
          %dma_wait3A_301 = arith.constant 0 : i32
          %dma_wait3A_302 = arith.constant 0 : i32
          %dma_wait3A_303 = tpu.memref_slice %arg5[%dma_wait3A_301, %dma_wait3A_302] : memref<819200x128xf32, #tpu.memory_space<hbm>> -> memref<80x128xf32, #tpu.memory_space<hbm>>
          %dma_wait3A_304 = arith.constant 0 : i32
          %dma_wait3A_305 = arith.constant 0 : i32
          %dma_wait3A_306 = tpu.memref_slice %arg5[%dma_wait3A_304, %dma_wait3A_305] : memref<819200x128xf32, #tpu.memory_space<hbm>> -> memref<80x128xf32, #tpu.memory_space<hbm>>
          %dma_wait3A_307 = arith.constant 0 : i32
          %dma_wait3A_308 = arith.constant 0 : i32
          %dma_wait3A_309 = tpu.memref_slice %arg8[%dma_wait3A_296, %dma_wait3A_307, %dma_wait3A_308] : memref<4x80x128xf32, #tpu.memory_space<vmem>> -> memref<1x80x128xf32, #tpu.memory_space<vmem>>
          %dma_wait3A_310 = tpu.memref_squeeze %dma_wait3A_309 : memref<1x80x128xf32, #tpu.memory_space<vmem>> -> memref<80x128xf32, #tpu.memory_space<vmem>>
          tpu.wait_dma2 semaphore(%arg13 : memref<!tpu.dma_semaphore, #tpu.memory_space<semaphore_mem>>) src(%dma_wait3A_310 : memref<80x128xf32, #tpu.memory_space<vmem>>) dst(%dma_wait3A_306 : memref<80x128xf32, #tpu.memory_space<hbm>>)
        } else {
        }
        %dma_start3A_285 = arith.constant 0 : i32
        %dma_start3A_286 = arith.constant 0 : i32
        %dma_start3A_287 = arith.constant 0 : i32
        %dma_start3A_288 = tpu.memref_slice %arg8[%dma_start3A_285, %dma_start3A_286, %dma_start3A_287] : memref<4x80x128xf32, #tpu.memory_space<vmem>> -> memref<1x80x128xf32, #tpu.memory_space<vmem>>
        %dma_start3A_289 = tpu.memref_squeeze %dma_start3A_288 : memref<1x80x128xf32, #tpu.memory_space<vmem>> -> memref<80x128xf32, #tpu.memory_space<vmem>>
        %dma_start3A_290 = arith.constant 0 : i32
        %dma_start3A_291 = tpu.memref_slice %arg6[%add3A_226, %dma_start3A_290] : memref<320x80xi32, #tpu.memory_space<vmem>> -> memref<1x80xi32, #tpu.memory_space<vmem>>
        %dma_start3A_292 = tpu.memref_squeeze %dma_start3A_291 : memref<1x80xi32, #tpu.memory_space<vmem>> -> memref<80xi32, #tpu.memory_space<vmem>>
        %dma_start3A_293 = arith.constant 0 : i32
        %dma_start3A_294 = arith.constant 0 : i32
        %dma_start3A_295 = tpu.memref_slice %arg2[%dma_start3A_293, %dma_start3A_294] : memref<1000000x128xf32, #tpu.memory_space<hbm>> -> memref<1000000x128xf32, #tpu.memory_space<hbm>>
        tpu.enqueue_indirect_dma source(%dma_start3A_295 : memref<1000000x128xf32, #tpu.memory_space<hbm>>) target(%dma_start3A_289 : memref<80x128xf32, #tpu.memory_space<vmem>>) offsets(%dma_start3A_292 : memref<80xi32, #tpu.memory_space<vmem>>) semaphore(%arg9 : memref<!tpu.dma_semaphore, #tpu.memory_space<semaphore_mem>>)
      } else {
      }
      %mul3A_232 = arith.constant 4 : i32
      %mul3A_233 = arith.muli %scan3A_90, %mul3A_232 : i32
      %add3A_234 = arith.constant 3 : i32
      %add3A_235 = arith.addi %mul3A_233, %add3A_234 : i32
      %dma_wait3A_236 = arith.constant 3 : i32
      %dma_wait3A_237 = arith.constant 0 : i32
      %dma_wait3A_238 = arith.constant 0 : i32
      %dma_wait3A_239 = tpu.memref_slice %arg8[%dma_wait3A_236, %dma_wait3A_237, %dma_wait3A_238] : memref<4x80x128xf32, #tpu.memory_space<vmem>> -> memref<1x80x128xf32, #tpu.memory_space<vmem>>
      %dma_wait3A_240 = tpu.memref_squeeze %dma_wait3A_239 : memref<1x80x128xf32, #tpu.memory_space<vmem>> -> memref<80x128xf32, #tpu.memory_space<vmem>>
      %dma_wait3A_241 = arith.constant 0 : i32
      %dma_wait3A_242 = arith.constant 0 : i32
      %dma_wait3A_243 = tpu.memref_slice %arg5[%dma_wait3A_241, %dma_wait3A_242] : memref<819200x128xf32, #tpu.memory_space<hbm>> -> memref<80x128xf32, #tpu.memory_space<hbm>>
      %dma_wait3A_244 = arith.constant 0 : i32
      %dma_wait3A_245 = arith.constant 0 : i32
      %dma_wait3A_246 = tpu.memref_slice %arg8[%dma_wait3A_236, %dma_wait3A_244, %dma_wait3A_245] : memref<4x80x128xf32, #tpu.memory_space<vmem>> -> memref<1x80x128xf32, #tpu.memory_space<vmem>>
      %dma_wait3A_247 = tpu.memref_squeeze %dma_wait3A_246 : memref<1x80x128xf32, #tpu.memory_space<vmem>> -> memref<80x128xf32, #tpu.memory_space<vmem>>
      %dma_wait3A_248 = arith.constant 0 : i32
      %dma_wait3A_249 = arith.constant 0 : i32
      %dma_wait3A_250 = tpu.memref_slice %arg5[%dma_wait3A_248, %dma_wait3A_249] : memref<819200x128xf32, #tpu.memory_space<hbm>> -> memref<80x128xf32, #tpu.memory_space<hbm>>
      tpu.wait_dma2 semaphore(%arg12 : memref<!tpu.dma_semaphore, #tpu.memory_space<semaphore_mem>>) src(%dma_wait3A_250 : memref<80x128xf32, #tpu.memory_space<hbm>>) dst(%dma_wait3A_247 : memref<80x128xf32, #tpu.memory_space<vmem>>)
      %scan3A_251 = arith.constant 0 : i32
      %scan3A_252 = arith.constant 0 : i32
      %scan3A_253 = arith.constant 80 : i32
      %scan3A_254 = arith.addi %scan3A_252, %scan3A_253 : i32
      %scan3A_255 = arith.constant 1 : i32
      scf.for %scan3A_280 = %scan3A_252 to %scan3A_254 step %scan3A_255  : i32 {
        %mul3A_281 = arith.constant 80 : i32
        %mul3A_282 = arith.muli %add3A_235, %mul3A_281 : i32
        %jit3A = arith.constant 200 : i32
        %eq3A = arith.constant 0 : i32
        %eq3A_283 = arith.cmpi eq, %jit3A, %eq3A : i32
        %jit3A_284 = arith.constant 1 : i32
        %select_n3A = arith.select %eq3A_283, %jit3A_284, %jit3A : i32
        %rem3A = arith.remsi %mul3A_282, %select_n3A : i32
        %ne3A = arith.constant 0 : i32
        %ne3A_285 = arith.cmpi ne, %rem3A, %ne3A : i32
        %lt3A_286 = arith.constant 0 : i32
        %lt3A_287 = arith.cmpi slt, %rem3A, %lt3A_286 : i32
        %lt3A_288 = arith.constant 0 : i32
        %lt3A_289 = arith.cmpi slt, %select_n3A, %lt3A_288 : i32
        %ne3A_290 = arith.xori %lt3A_287, %lt3A_289 : i1
        %and3A = arith.andi %ne3A_290, %ne3A_285 : i1
        %add3A_291 = arith.addi %rem3A, %select_n3A : i32
        %select_n3A_292 = arith.select %and3A, %add3A_291, %rem3A : i32
        %add3A_293 = arith.addi %select_n3A_292, %scan3A_280 : i32
        %get3A = arith.constant 3 : i32
        %get3A_294 = arith.index_cast %get3A : i32 to index
        %get3A_295 = arith.index_cast %scan3A_280 : i32 to index
        %get3A_296 = arith.constant 0 : index
        %get3A_297 = tpu.vector_load %arg8[%get3A_294, %get3A_295, %get3A_296] {strides = array<i32>} : memref<4x80x128xf32, #tpu.memory_space<vmem>>, vector<1x1x16xf32>,
        %get3A_298 = vector.shape_cast %get3A_297 : vector<1x1x16xf32> to vector<16xf32>
        %mul3A_299 = arith.constant 11.3137083 : f32
        %mul3A_300 = vector.broadcast %mul3A_299 : f32 to vector<16xf32>
        %mul3A_301 = arith.mulf %get3A_298, %mul3A_300 : vector<16xf32>
        %get3A_302 = arith.index_cast %add3A_293 : i32 to index
        %get3A_303 = arith.constant 0 : index
        %get3A_304 = tpu.vector_load %arg7[%get3A_302, %get3A_303] {strides = array<i32>} : memref<240x128xf32, #tpu.memory_space<vmem>>, vector<1x16xf32>,
        %get3A_305 = vector.shape_cast %get3A_304 : vector<1x16xf32> to vector<16xf32>
        %add3A_306 = arith.addf %mul3A_301, %get3A_305 : vector<16xf32>
        %swap3A = arith.constant 3 : i32
        %swap3A_307 = arith.index_cast %swap3A : i32 to index
        %swap3A_308 = arith.index_cast %scan3A_280 : i32 to index
        %swap3A_309 = arith.constant 0 : index
        %swap3A_310 = tpu.vector_load %arg8[%swap3A_307, %swap3A_308, %swap3A_309] {strides = array<i32>} : memref<4x80x128xf32, #tpu.memory_space<vmem>>, vector<1x1x16xf32>,
        %swap3A_311 = vector.shape_cast %swap3A_310 : vector<1x1x16xf32> to vector<16xf32>
        %swap3A_312 = vector.shape_cast %add3A_306 : vector<16xf32> to vector<1x1x16xf32>
        tpu.vector_store %arg8[%swap3A_307, %swap3A_308, %swap3A_309], %swap3A_312 {strides = array<i32>} : memref<4x80x128xf32, #tpu.memory_space<vmem>>, vector<1x1x16xf32>,
        %get3A_313 = arith.constant 3 : i32
        %get3A_314 = arith.index_cast %get3A_313 : i32 to index
        %get3A_315 = arith.index_cast %scan3A_280 : i32 to index
        %get3A_316 = arith.constant 16 : index
        %get3A_317 = tpu.vector_load %arg8[%get3A_314, %get3A_315, %get3A_316] {strides = array<i32>} : memref<4x80x128xf32, #tpu.memory_space<vmem>>, vector<1x1x16xf32>,
        %get3A_318 = vector.shape_cast %get3A_317 : vector<1x1x16xf32> to vector<16xf32>
        %mul3A_319 = arith.constant 11.3137083 : f32
        %mul3A_320 = vector.broadcast %mul3A_319 : f32 to vector<16xf32>
        %mul3A_321 = arith.mulf %get3A_318, %mul3A_320 : vector<16xf32>
        %get3A_322 = arith.index_cast %add3A_293 : i32 to index
        %get3A_323 = arith.constant 16 : index
        %get3A_324 = tpu.vector_load %arg7[%get3A_322, %get3A_323] {strides = array<i32>} : memref<240x128xf32, #tpu.memory_space<vmem>>, vector<1x16xf32>,
        %get3A_325 = vector.shape_cast %get3A_324 : vector<1x16xf32> to vector<16xf32>
        %add3A_326 = arith.addf %mul3A_321, %get3A_325 : vector<16xf32>
        %swap3A_327 = arith.constant 3 : i32
        %swap3A_328 = arith.index_cast %swap3A_327 : i32 to index
        %swap3A_329 = arith.index_cast %scan3A_280 : i32 to index
        %swap3A_330 = arith.constant 16 : index
        %swap3A_331 = tpu.vector_load %arg8[%swap3A_328, %swap3A_329, %swap3A_330] {strides = array<i32>} : memref<4x80x128xf32, #tpu.memory_space<vmem>>, vector<1x1x16xf32>,
        %swap3A_332 = vector.shape_cast %swap3A_331 : vector<1x1x16xf32> to vector<16xf32>
        %swap3A_333 = vector.shape_cast %add3A_326 : vector<16xf32> to vector<1x1x16xf32>
        tpu.vector_store %arg8[%swap3A_328, %swap3A_329, %swap3A_330], %swap3A_333 {strides = array<i32>} : memref<4x80x128xf32, #tpu.memory_space<vmem>>, vector<1x1x16xf32>,
        %get3A_334 = arith.constant 3 : i32
        %get3A_335 = arith.index_cast %get3A_334 : i32 to index
        %get3A_336 = arith.index_cast %scan3A_280 : i32 to index
        %get3A_337 = arith.constant 32 : index
        %get3A_338 = tpu.vector_load %arg8[%get3A_335, %get3A_336, %get3A_337] {strides = array<i32>} : memref<4x80x128xf32, #tpu.memory_space<vmem>>, vector<1x1x16xf32>,
        %get3A_339 = vector.shape_cast %get3A_338 : vector<1x1x16xf32> to vector<16xf32>
        %mul3A_340 = arith.constant 11.3137083 : f32
        %mul3A_341 = vector.broadcast %mul3A_340 : f32 to vector<16xf32>
        %mul3A_342 = arith.mulf %get3A_339, %mul3A_341 : vector<16xf32>
        %get3A_343 = arith.index_cast %add3A_293 : i32 to index
        %get3A_344 = arith.constant 32 : index
        %get3A_345 = tpu.vector_load %arg7[%get3A_343, %get3A_344] {strides = array<i32>} : memref<240x128xf32, #tpu.memory_space<vmem>>, vector<1x16xf32>,
        %get3A_346 = vector.shape_cast %get3A_345 : vector<1x16xf32> to vector<16xf32>
        %add3A_347 = arith.addf %mul3A_342, %get3A_346 : vector<16xf32>
        %swap3A_348 = arith.constant 3 : i32
        %swap3A_349 = arith.index_cast %swap3A_348 : i32 to index
        %swap3A_350 = arith.index_cast %scan3A_280 : i32 to index
        %swap3A_351 = arith.constant 32 : index
        %swap3A_352 = tpu.vector_load %arg8[%swap3A_349, %swap3A_350, %swap3A_351] {strides = array<i32>} : memref<4x80x128xf32, #tpu.memory_space<vmem>>, vector<1x1x16xf32>,
        %swap3A_353 = vector.shape_cast %swap3A_352 : vector<1x1x16xf32> to vector<16xf32>
        %swap3A_354 = vector.shape_cast %add3A_347 : vector<16xf32> to vector<1x1x16xf32>
        tpu.vector_store %arg8[%swap3A_349, %swap3A_350, %swap3A_351], %swap3A_354 {strides = array<i32>} : memref<4x80x128xf32, #tpu.memory_space<vmem>>, vector<1x1x16xf32>,
        %get3A_355 = arith.constant 3 : i32
        %get3A_356 = arith.index_cast %get3A_355 : i32 to index
        %get3A_357 = arith.index_cast %scan3A_280 : i32 to index
        %get3A_358 = arith.constant 48 : index
        %get3A_359 = tpu.vector_load %arg8[%get3A_356, %get3A_357, %get3A_358] {strides = array<i32>} : memref<4x80x128xf32, #tpu.memory_space<vmem>>, vector<1x1x16xf32>,
        %get3A_360 = vector.shape_cast %get3A_359 : vector<1x1x16xf32> to vector<16xf32>
        %mul3A_361 = arith.constant 11.3137083 : f32
        %mul3A_362 = vector.broadcast %mul3A_361 : f32 to vector<16xf32>
        %mul3A_363 = arith.mulf %get3A_360, %mul3A_362 : vector<16xf32>
        %get3A_364 = arith.index_cast %add3A_293 : i32 to index
        %get3A_365 = arith.constant 48 : index
        %get3A_366 = tpu.vector_load %arg7[%get3A_364, %get3A_365] {strides = array<i32>} : memref<240x128xf32, #tpu.memory_space<vmem>>, vector<1x16xf32>,
        %get3A_367 = vector.shape_cast %get3A_366 : vector<1x16xf32> to vector<16xf32>
        %add3A_368 = arith.addf %mul3A_363, %get3A_367 : vector<16xf32>
        %swap3A_369 = arith.constant 3 : i32
        %swap3A_370 = arith.index_cast %swap3A_369 : i32 to index
        %swap3A_371 = arith.index_cast %scan3A_280 : i32 to index
        %swap3A_372 = arith.constant 48 : index
        %swap3A_373 = tpu.vector_load %arg8[%swap3A_370, %swap3A_371, %swap3A_372] {strides = array<i32>} : memref<4x80x128xf32, #tpu.memory_space<vmem>>, vector<1x1x16xf32>,
        %swap3A_374 = vector.shape_cast %swap3A_373 : vector<1x1x16xf32> to vector<16xf32>
        %swap3A_375 = vector.shape_cast %add3A_368 : vector<16xf32> to vector<1x1x16xf32>
        tpu.vector_store %arg8[%swap3A_370, %swap3A_371, %swap3A_372], %swap3A_375 {strides = array<i32>} : memref<4x80x128xf32, #tpu.memory_space<vmem>>, vector<1x1x16xf32>,
        %get3A_376 = arith.constant 3 : i32
        %get3A_377 = arith.index_cast %get3A_376 : i32 to index
        %get3A_378 = arith.index_cast %scan3A_280 : i32 to index
        %get3A_379 = arith.constant 64 : index
        %get3A_380 = tpu.vector_load %arg8[%get3A_377, %get3A_378, %get3A_379] {strides = array<i32>} : memref<4x80x128xf32, #tpu.memory_space<vmem>>, vector<1x1x16xf32>,
        %get3A_381 = vector.shape_cast %get3A_380 : vector<1x1x16xf32> to vector<16xf32>
        %mul3A_382 = arith.constant 11.3137083 : f32
        %mul3A_383 = vector.broadcast %mul3A_382 : f32 to vector<16xf32>
        %mul3A_384 = arith.mulf %get3A_381, %mul3A_383 : vector<16xf32>
        %get3A_385 = arith.index_cast %add3A_293 : i32 to index
        %get3A_386 = arith.constant 64 : index
        %get3A_387 = tpu.vector_load %arg7[%get3A_385, %get3A_386] {strides = array<i32>} : memref<240x128xf32, #tpu.memory_space<vmem>>, vector<1x16xf32>,
        %get3A_388 = vector.shape_cast %get3A_387 : vector<1x16xf32> to vector<16xf32>
        %add3A_389 = arith.addf %mul3A_384, %get3A_388 : vector<16xf32>
        %swap3A_390 = arith.constant 3 : i32
        %swap3A_391 = arith.index_cast %swap3A_390 : i32 to index
        %swap3A_392 = arith.index_cast %scan3A_280 : i32 to index
        %swap3A_393 = arith.constant 64 : index
        %swap3A_394 = tpu.vector_load %arg8[%swap3A_391, %swap3A_392, %swap3A_393] {strides = array<i32>} : memref<4x80x128xf32, #tpu.memory_space<vmem>>, vector<1x1x16xf32>,
        %swap3A_395 = vector.shape_cast %swap3A_394 : vector<1x1x16xf32> to vector<16xf32>
        %swap3A_396 = vector.shape_cast %add3A_389 : vector<16xf32> to vector<1x1x16xf32>
        tpu.vector_store %arg8[%swap3A_391, %swap3A_392, %swap3A_393], %swap3A_396 {strides = array<i32>} : memref<4x80x128xf32, #tpu.memory_space<vmem>>, vector<1x1x16xf32>,
        %get3A_397 = arith.constant 3 : i32
        %get3A_398 = arith.index_cast %get3A_397 : i32 to index
        %get3A_399 = arith.index_cast %scan3A_280 : i32 to index
        %get3A_400 = arith.constant 80 : index
        %get3A_401 = tpu.vector_load %arg8[%get3A_398, %get3A_399, %get3A_400] {strides = array<i32>} : memref<4x80x128xf32, #tpu.memory_space<vmem>>, vector<1x1x16xf32>,
        %get3A_402 = vector.shape_cast %get3A_401 : vector<1x1x16xf32> to vector<16xf32>
        %mul3A_403 = arith.constant 11.3137083 : f32
        %mul3A_404 = vector.broadcast %mul3A_403 : f32 to vector<16xf32>
        %mul3A_405 = arith.mulf %get3A_402, %mul3A_404 : vector<16xf32>
        %get3A_406 = arith.index_cast %add3A_293 : i32 to index
        %get3A_407 = arith.constant 80 : index
        %get3A_408 = tpu.vector_load %arg7[%get3A_406, %get3A_407] {strides = array<i32>} : memref<240x128xf32, #tpu.memory_space<vmem>>, vector<1x16xf32>,
        %get3A_409 = vector.shape_cast %get3A_408 : vector<1x16xf32> to vector<16xf32>
        %add3A_410 = arith.addf %mul3A_405, %get3A_409 : vector<16xf32>
        %swap3A_411 = arith.constant 3 : i32
        %swap3A_412 = arith.index_cast %swap3A_411 : i32 to index
        %swap3A_413 = arith.index_cast %scan3A_280 : i32 to index
        %swap3A_414 = arith.constant 80 : index
        %swap3A_415 = tpu.vector_load %arg8[%swap3A_412, %swap3A_413, %swap3A_414] {strides = array<i32>} : memref<4x80x128xf32, #tpu.memory_space<vmem>>, vector<1x1x16xf32>,
        %swap3A_416 = vector.shape_cast %swap3A_415 : vector<1x1x16xf32> to vector<16xf32>
        %swap3A_417 = vector.shape_cast %add3A_410 : vector<16xf32> to vector<1x1x16xf32>
        tpu.vector_store %arg8[%swap3A_412, %swap3A_413, %swap3A_414], %swap3A_417 {strides = array<i32>} : memref<4x80x128xf32, #tpu.memory_space<vmem>>, vector<1x1x16xf32>,
        %get3A_418 = arith.constant 3 : i32
        %get3A_419 = arith.index_cast %get3A_418 : i32 to index
        %get3A_420 = arith.index_cast %scan3A_280 : i32 to index
        %get3A_421 = arith.constant 96 : index
        %get3A_422 = tpu.vector_load %arg8[%get3A_419, %get3A_420, %get3A_421] {strides = array<i32>} : memref<4x80x128xf32, #tpu.memory_space<vmem>>, vector<1x1x16xf32>,
        %get3A_423 = vector.shape_cast %get3A_422 : vector<1x1x16xf32> to vector<16xf32>
        %mul3A_424 = arith.constant 11.3137083 : f32
        %mul3A_425 = vector.broadcast %mul3A_424 : f32 to vector<16xf32>
        %mul3A_426 = arith.mulf %get3A_423, %mul3A_425 : vector<16xf32>
        %get3A_427 = arith.index_cast %add3A_293 : i32 to index
        %get3A_428 = arith.constant 96 : index
        %get3A_429 = tpu.vector_load %arg7[%get3A_427, %get3A_428] {strides = array<i32>} : memref<240x128xf32, #tpu.memory_space<vmem>>, vector<1x16xf32>,
        %get3A_430 = vector.shape_cast %get3A_429 : vector<1x16xf32> to vector<16xf32>
        %add3A_431 = arith.addf %mul3A_426, %get3A_430 : vector<16xf32>
        %swap3A_432 = arith.constant 3 : i32
        %swap3A_433 = arith.index_cast %swap3A_432 : i32 to index
        %swap3A_434 = arith.index_cast %scan3A_280 : i32 to index
        %swap3A_435 = arith.constant 96 : index
        %swap3A_436 = tpu.vector_load %arg8[%swap3A_433, %swap3A_434, %swap3A_435] {strides = array<i32>} : memref<4x80x128xf32, #tpu.memory_space<vmem>>, vector<1x1x16xf32>,
        %swap3A_437 = vector.shape_cast %swap3A_436 : vector<1x1x16xf32> to vector<16xf32>
        %swap3A_438 = vector.shape_cast %add3A_431 : vector<16xf32> to vector<1x1x16xf32>
        tpu.vector_store %arg8[%swap3A_433, %swap3A_434, %swap3A_435], %swap3A_438 {strides = array<i32>} : memref<4x80x128xf32, #tpu.memory_space<vmem>>, vector<1x1x16xf32>,
        %get3A_439 = arith.constant 3 : i32
        %get3A_440 = arith.index_cast %get3A_439 : i32 to index
        %get3A_441 = arith.index_cast %scan3A_280 : i32 to index
        %get3A_442 = arith.constant 112 : index
        %get3A_443 = tpu.vector_load %arg8[%get3A_440, %get3A_441, %get3A_442] {strides = array<i32>} : memref<4x80x128xf32, #tpu.memory_space<vmem>>, vector<1x1x16xf32>,
        %get3A_444 = vector.shape_cast %get3A_443 : vector<1x1x16xf32> to vector<16xf32>
        %mul3A_445 = arith.constant 11.3137083 : f32
        %mul3A_446 = vector.broadcast %mul3A_445 : f32 to vector<16xf32>
        %mul3A_447 = arith.mulf %get3A_444, %mul3A_446 : vector<16xf32>
        %get3A_448 = arith.index_cast %add3A_293 : i32 to index
        %get3A_449 = arith.constant 112 : index
        %get3A_450 = tpu.vector_load %arg7[%get3A_448, %get3A_449] {strides = array<i32>} : memref<240x128xf32, #tpu.memory_space<vmem>>, vector<1x16xf32>,
        %get3A_451 = vector.shape_cast %get3A_450 : vector<1x16xf32> to vector<16xf32>
        %add3A_452 = arith.addf %mul3A_447, %get3A_451 : vector<16xf32>
        %swap3A_453 = arith.constant 3 : i32
        %swap3A_454 = arith.index_cast %swap3A_453 : i32 to index
        %swap3A_455 = arith.index_cast %scan3A_280 : i32 to index
        %swap3A_456 = arith.constant 112 : index
        %swap3A_457 = tpu.vector_load %arg8[%swap3A_454, %swap3A_455, %swap3A_456] {strides = array<i32>} : memref<4x80x128xf32, #tpu.memory_space<vmem>>, vector<1x1x16xf32>,
        %swap3A_458 = vector.shape_cast %swap3A_457 : vector<1x1x16xf32> to vector<16xf32>
        %swap3A_459 = vector.shape_cast %add3A_452 : vector<16xf32> to vector<1x1x16xf32>
        tpu.vector_store %arg8[%swap3A_454, %swap3A_455, %swap3A_456], %swap3A_459 {strides = array<i32>} : memref<4x80x128xf32, #tpu.memory_space<vmem>>, vector<1x1x16xf32>,
      }
      %scan3A_256 = arith.constant 80 : i32
      %add3A_257 = arith.addi %mul3A_2, %add3A_235 : i32
      %mul3A_258 = arith.constant 80 : i32
      %mul3A_259 = arith.muli %add3A_257, %mul3A_258 : i32
      %dma_start3A_260 = arith.constant 3 : i32
      %dma_start3A_261 = arith.constant 0 : i32
      %dma_start3A_262 = arith.constant 0 : i32
      %dma_start3A_263 = tpu.memref_slice %arg8[%dma_start3A_260, %dma_start3A_261, %dma_start3A_262] : memref<4x80x128xf32, #tpu.memory_space<vmem>> -> memref<1x80x128xf32, #tpu.memory_space<vmem>>
      %dma_start3A_264 = tpu.memref_squeeze %dma_start3A_263 : memref<1x80x128xf32, #tpu.memory_space<vmem>> -> memref<80x128xf32, #tpu.memory_space<vmem>>
      %dma_start3A_265 = arith.constant 0 : i32
      %dma_start3A_266 = tpu.memref_slice %arg5[%mul3A_259, %dma_start3A_265] : memref<819200x128xf32, #tpu.memory_space<hbm>> -> memref<80x128xf32, #tpu.memory_space<hbm>>
      %dma_start3A_267 = arith.constant 0 : i32
      %dma_start3A_268 = tpu.memref_slice %arg5[%mul3A_259, %dma_start3A_267] : memref<819200x128xf32, #tpu.memory_space<hbm>> -> memref<80x128xf32, #tpu.memory_space<hbm>>
      %dma_start3A_269 = arith.constant 0 : i32
      %dma_start3A_270 = arith.constant 0 : i32
      %dma_start3A_271 = tpu.memref_slice %arg8[%dma_start3A_260, %dma_start3A_269, %dma_start3A_270] : memref<4x80x128xf32, #tpu.memory_space<vmem>> -> memref<1x80x128xf32, #tpu.memory_space<vmem>>
      %dma_start3A_272 = tpu.memref_squeeze %dma_start3A_271 : memref<1x80x128xf32, #tpu.memory_space<vmem>> -> memref<80x128xf32, #tpu.memory_space<vmem>>
      tpu.enqueue_dma source(%dma_start3A_272 : memref<80x128xf32, #tpu.memory_space<vmem>>) target(%dma_start3A_268 : memref<80x128xf32, #tpu.memory_space<hbm>>) target_semaphore(%arg16 : memref<!tpu.dma_semaphore, #tpu.memory_space<semaphore_mem>>)
      %add3A_273 = arith.constant 2 : i32
      %add3A_274 = arith.addi %add3A_235, %add3A_273 : i32
      %lt3A_275 = arith.constant 320 : i32
      %lt3A_276 = arith.cmpi slt, %add3A_274, %lt3A_275 : i32
      %convert_element_type3A_277 = arith.extui %lt3A_276 : i1 to i32
      %cond3A_278 = arith.constant 0 : i32
      %cond3A_279 = arith.cmpi ne, %convert_element_type3A_277, %cond3A_278 : i32
      scf.if %cond3A_279 {
        %sub3A = arith.constant 4 : i32
        %sub3A_280 = arith.subi %add3A_274, %sub3A : i32
        %ge3A = arith.constant 0 : i32
        %ge3A_281 = arith.cmpi sge, %sub3A_280, %ge3A : i32
        %convert_element_type3A_282 = arith.extui %ge3A_281 : i1 to i32
        %cond3A_283 = arith.constant 0 : i32
        %cond3A_284 = arith.cmpi ne, %convert_element_type3A_282, %cond3A_283 : i32
        scf.if %cond3A_284 {
          %dma_wait3A_296 = arith.constant 1 : i32
          %dma_wait3A_297 = arith.constant 0 : i32
          %dma_wait3A_298 = arith.constant 0 : i32
          %dma_wait3A_299 = tpu.memref_slice %arg8[%dma_wait3A_296, %dma_wait3A_297, %dma_wait3A_298] : memref<4x80x128xf32, #tpu.memory_space<vmem>> -> memref<1x80x128xf32, #tpu.memory_space<vmem>>
          %dma_wait3A_300 = tpu.memref_squeeze %dma_wait3A_299 : memref<1x80x128xf32, #tpu.memory_space<vmem>> -> memref<80x128xf32, #tpu.memory_space<vmem>>
          %dma_wait3A_301 = arith.constant 0 : i32
          %dma_wait3A_302 = arith.constant 0 : i32
          %dma_wait3A_303 = tpu.memref_slice %arg5[%dma_wait3A_301, %dma_wait3A_302] : memref<819200x128xf32, #tpu.memory_space<hbm>> -> memref<80x128xf32, #tpu.memory_space<hbm>>
          %dma_wait3A_304 = arith.constant 0 : i32
          %dma_wait3A_305 = arith.constant 0 : i32
          %dma_wait3A_306 = tpu.memref_slice %arg5[%dma_wait3A_304, %dma_wait3A_305] : memref<819200x128xf32, #tpu.memory_space<hbm>> -> memref<80x128xf32, #tpu.memory_space<hbm>>
          %dma_wait3A_307 = arith.constant 0 : i32
          %dma_wait3A_308 = arith.constant 0 : i32
          %dma_wait3A_309 = tpu.memref_slice %arg8[%dma_wait3A_296, %dma_wait3A_307, %dma_wait3A_308] : memref<4x80x128xf32, #tpu.memory_space<vmem>> -> memref<1x80x128xf32, #tpu.memory_space<vmem>>
          %dma_wait3A_310 = tpu.memref_squeeze %dma_wait3A_309 : memref<1x80x128xf32, #tpu.memory_space<vmem>> -> memref<80x128xf32, #tpu.memory_space<vmem>>
          tpu.wait_dma2 semaphore(%arg14 : memref<!tpu.dma_semaphore, #tpu.memory_space<semaphore_mem>>) src(%dma_wait3A_310 : memref<80x128xf32, #tpu.memory_space<vmem>>) dst(%dma_wait3A_306 : memref<80x128xf32, #tpu.memory_space<hbm>>)
        } else {
        }
        %dma_start3A_285 = arith.constant 1 : i32
        %dma_start3A_286 = arith.constant 0 : i32
        %dma_start3A_287 = arith.constant 0 : i32
        %dma_start3A_288 = tpu.memref_slice %arg8[%dma_start3A_285, %dma_start3A_286, %dma_start3A_287] : memref<4x80x128xf32, #tpu.memory_space<vmem>> -> memref<1x80x128xf32, #tpu.memory_space<vmem>>
        %dma_start3A_289 = tpu.memref_squeeze %dma_start3A_288 : memref<1x80x128xf32, #tpu.memory_space<vmem>> -> memref<80x128xf32, #tpu.memory_space<vmem>>
        %dma_start3A_290 = arith.constant 0 : i32
        %dma_start3A_291 = tpu.memref_slice %arg6[%add3A_274, %dma_start3A_290] : memref<320x80xi32, #tpu.memory_space<vmem>> -> memref<1x80xi32, #tpu.memory_space<vmem>>
        %dma_start3A_292 = tpu.memref_squeeze %dma_start3A_291 : memref<1x80xi32, #tpu.memory_space<vmem>> -> memref<80xi32, #tpu.memory_space<vmem>>
        %dma_start3A_293 = arith.constant 0 : i32
        %dma_start3A_294 = arith.constant 0 : i32
        %dma_start3A_295 = tpu.memref_slice %arg2[%dma_start3A_293, %dma_start3A_294] : memref<1000000x128xf32, #tpu.memory_space<hbm>> -> memref<1000000x128xf32, #tpu.memory_space<hbm>>
        tpu.enqueue_indirect_dma source(%dma_start3A_295 : memref<1000000x128xf32, #tpu.memory_space<hbm>>) target(%dma_start3A_289 : memref<80x128xf32, #tpu.memory_space<vmem>>) offsets(%dma_start3A_292 : memref<80xi32, #tpu.memory_space<vmem>>) semaphore(%arg10 : memref<!tpu.dma_semaphore, #tpu.memory_space<semaphore_mem>>)
      } else {
      }
    }
    %scan3A_30 = arith.constant 80 : i32
    %dma_wait3A = arith.constant 0 : i32
    %dma_wait3A_31 = arith.constant 0 : i32
    %dma_wait3A_32 = arith.constant 0 : i32
    %dma_wait3A_33 = tpu.memref_slice %arg8[%dma_wait3A, %dma_wait3A_31, %dma_wait3A_32] : memref<4x80x128xf32, #tpu.memory_space<vmem>> -> memref<1x80x128xf32, #tpu.memory_space<vmem>>
    %dma_wait3A_34 = tpu.memref_squeeze %dma_wait3A_33 : memref<1x80x128xf32, #tpu.memory_space<vmem>> -> memref<80x128xf32, #tpu.memory_space<vmem>>
    %dma_wait3A_35 = arith.constant 0 : i32
    %dma_wait3A_36 = arith.constant 0 : i32
    %dma_wait3A_37 = tpu.memref_slice %arg5[%dma_wait3A_35, %dma_wait3A_36] : memref<819200x128xf32, #tpu.memory_space<hbm>> -> memref<80x128xf32, #tpu.memory_space<hbm>>
    %dma_wait3A_38 = arith.constant 0 : i32
    %dma_wait3A_39 = arith.constant 0 : i32
    %dma_wait3A_40 = tpu.memref_slice %arg5[%dma_wait3A_38, %dma_wait3A_39] : memref<819200x128xf32, #tpu.memory_space<hbm>> -> memref<80x128xf32, #tpu.memory_space<hbm>>
    %dma_wait3A_41 = arith.constant 0 : i32
    %dma_wait3A_42 = arith.constant 0 : i32
    %dma_wait3A_43 = tpu.memref_slice %arg8[%dma_wait3A, %dma_wait3A_41, %dma_wait3A_42] : memref<4x80x128xf32, #tpu.memory_space<vmem>> -> memref<1x80x128xf32, #tpu.memory_space<vmem>>
    %dma_wait3A_44 = tpu.memref_squeeze %dma_wait3A_43 : memref<1x80x128xf32, #tpu.memory_space<vmem>> -> memref<80x128xf32, #tpu.memory_space<vmem>>
    tpu.wait_dma2 semaphore(%arg13 : memref<!tpu.dma_semaphore, #tpu.memory_space<semaphore_mem>>) src(%dma_wait3A_44 : memref<80x128xf32, #tpu.memory_space<vmem>>) dst(%dma_wait3A_40 : memref<80x128xf32, #tpu.memory_space<hbm>>)
    %dma_wait3A_45 = arith.constant 1 : i32
    %dma_wait3A_46 = arith.constant 0 : i32
    %dma_wait3A_47 = arith.constant 0 : i32
    %dma_wait3A_48 = tpu.memref_slice %arg8[%dma_wait3A_45, %dma_wait3A_46, %dma_wait3A_47] : memref<4x80x128xf32, #tpu.memory_space<vmem>> -> memref<1x80x128xf32, #tpu.memory_space<vmem>>
    %dma_wait3A_49 = tpu.memref_squeeze %dma_wait3A_48 : memref<1x80x128xf32, #tpu.memory_space<vmem>> -> memref<80x128xf32, #tpu.memory_space<vmem>>
    %dma_wait3A_50 = arith.constant 0 : i32
    %dma_wait3A_51 = arith.constant 0 : i32
    %dma_wait3A_52 = tpu.memref_slice %arg5[%dma_wait3A_50, %dma_wait3A_51] : memref<819200x128xf32, #tpu.memory_space<hbm>> -> memref<80x128xf32, #tpu.memory_space<hbm>>
    %dma_wait3A_53 = arith.constant 0 : i32
    %dma_wait3A_54 = arith.constant 0 : i32
    %dma_wait3A_55 = tpu.memref_slice %arg5[%dma_wait3A_53, %dma_wait3A_54] : memref<819200x128xf32, #tpu.memory_space<hbm>> -> memref<80x128xf32, #tpu.memory_space<hbm>>
    %dma_wait3A_56 = arith.constant 0 : i32
    %dma_wait3A_57 = arith.constant 0 : i32
    %dma_wait3A_58 = tpu.memref_slice %arg8[%dma_wait3A_45, %dma_wait3A_56, %dma_wait3A_57] : memref<4x80x128xf32, #tpu.memory_space<vmem>> -> memref<1x80x128xf32, #tpu.memory_space<vmem>>
    %dma_wait3A_59 = tpu.memref_squeeze %dma_wait3A_58 : memref<1x80x128xf32, #tpu.memory_space<vmem>> -> memref<80x128xf32, #tpu.memory_space<vmem>>
    tpu.wait_dma2 semaphore(%arg14 : memref<!tpu.dma_semaphore, #tpu.memory_space<semaphore_mem>>) src(%dma_wait3A_59 : memref<80x128xf32, #tpu.memory_space<vmem>>) dst(%dma_wait3A_55 : memref<80x128xf32, #tpu.memory_space<hbm>>)
    %dma_wait3A_60 = arith.constant 2 : i32
    %dma_wait3A_61 = arith.constant 0 : i32
    %dma_wait3A_62 = arith.constant 0 : i32
    %dma_wait3A_63 = tpu.memref_slice %arg8[%dma_wait3A_60, %dma_wait3A_61, %dma_wait3A_62] : memref<4x80x128xf32, #tpu.memory_space<vmem>> -> memref<1x80x128xf32, #tpu.memory_space<vmem>>
    %dma_wait3A_64 = tpu.memref_squeeze %dma_wait3A_63 : memref<1x80x128xf32, #tpu.memory_space<vmem>> -> memref<80x128xf32, #tpu.memory_space<vmem>>
    %dma_wait3A_65 = arith.constant 0 : i32
    %dma_wait3A_66 = arith.constant 0 : i32
    %dma_wait3A_67 = tpu.memref_slice %arg5[%dma_wait3A_65, %dma_wait3A_66] : memref<819200x128xf32, #tpu.memory_space<hbm>> -> memref<80x128xf32, #tpu.memory_space<hbm>>
    %dma_wait3A_68 = arith.constant 0 : i32
    %dma_wait3A_69 = arith.constant 0 : i32
    %dma_wait3A_70 = tpu.memref_slice %arg5[%dma_wait3A_68, %dma_wait3A_69] : memref<819200x128xf32, #tpu.memory_space<hbm>> -> memref<80x128xf32, #tpu.memory_space<hbm>>
    %dma_wait3A_71 = arith.constant 0 : i32
    %dma_wait3A_72 = arith.constant 0 : i32
    %dma_wait3A_73 = tpu.memref_slice %arg8[%dma_wait3A_60, %dma_wait3A_71, %dma_wait3A_72] : memref<4x80x128xf32, #tpu.memory_space<vmem>> -> memref<1x80x128xf32, #tpu.memory_space<vmem>>
    %dma_wait3A_74 = tpu.memref_squeeze %dma_wait3A_73 : memref<1x80x128xf32, #tpu.memory_space<vmem>> -> memref<80x128xf32, #tpu.memory_space<vmem>>
    tpu.wait_dma2 semaphore(%arg15 : memref<!tpu.dma_semaphore, #tpu.memory_space<semaphore_mem>>) src(%dma_wait3A_74 : memref<80x128xf32, #tpu.memory_space<vmem>>) dst(%dma_wait3A_70 : memref<80x128xf32, #tpu.memory_space<hbm>>)
    %dma_wait3A_75 = arith.constant 3 : i32
    %dma_wait3A_76 = arith.constant 0 : i32
    %dma_wait3A_77 = arith.constant 0 : i32
    %dma_wait3A_78 = tpu.memref_slice %arg8[%dma_wait3A_75, %dma_wait3A_76, %dma_wait3A_77] : memref<4x80x128xf32, #tpu.memory_space<vmem>> -> memref<1x80x128xf32, #tpu.memory_space<vmem>>
    %dma_wait3A_79 = tpu.memref_squeeze %dma_wait3A_78 : memref<1x80x128xf32, #tpu.memory_space<vmem>> -> memref<80x128xf32, #tpu.memory_space<vmem>>
    %dma_wait3A_80 = arith.constant 0 : i32
    %dma_wait3A_81 = arith.constant 0 : i32
    %dma_wait3A_82 = tpu.memref_slice %arg5[%dma_wait3A_80, %dma_wait3A_81] : memref<819200x128xf32, #tpu.memory_space<hbm>> -> memref<80x128xf32, #tpu.memory_space<hbm>>
    %dma_wait3A_83 = arith.constant 0 : i32
    %dma_wait3A_84 = arith.constant 0 : i32
    %dma_wait3A_85 = tpu.memref_slice %arg5[%dma_wait3A_83, %dma_wait3A_84] : memref<819200x128xf32, #tpu.memory_space<hbm>> -> memref<80x128xf32, #tpu.memory_space<hbm>>
    %dma_wait3A_86 = arith.constant 0 : i32
    %dma_wait3A_87 = arith.constant 0 : i32
    %dma_wait3A_88 = tpu.memref_slice %arg8[%dma_wait3A_75, %dma_wait3A_86, %dma_wait3A_87] : memref<4x80x128xf32, #tpu.memory_space<vmem>> -> memref<1x80x128xf32, #tpu.memory_space<vmem>>
    %dma_wait3A_89 = tpu.memref_squeeze %dma_wait3A_88 : memref<1x80x128xf32, #tpu.memory_space<vmem>> -> memref<80x128xf32, #tpu.memory_space<vmem>>
    tpu.wait_dma2 semaphore(%arg16 : memref<!tpu.dma_semaphore, #tpu.memory_space<semaphore_mem>>) src(%dma_wait3A_89 : memref<80x128xf32, #tpu.memory_space<vmem>>) dst(%dma_wait3A_85 : memref<80x128xf32, #tpu.memory_space<hbm>>)
    return
  }
}

</mosaic_0001>

<sc_bundles>
// kernel: _sc_call.3.cloned.1.call-start
scs
__scs_entry_jumppad:
0x0: {  	(pc) =	sbr.rel $0x88, $3  }
0x1: {  	(tag) =	ssettag $0x0;
	lr =	simm.s32 $0x1  }
0x2: {  	[smem:$0x3F9E] =	sst lr;
	_ =	strace $0xD0000000  }
0x3: {  	_ = 	snop  }
0x4: {  	_ = 	snop  }
0x5: {  	_ = 	snop  }
0x6: {  	_ = 	snop  }
0x7: {  	_ = 	snop  }
__scs_overlays_trampoline_lowered:
0x8: {  	[smem:$0x3FAD] =	sst s0  }
0x9: {  	[smem:$0x3FAE] =	sst s1  }
0xa: {  	[smem:$0x3FAF] =	sst s2  }
0xb: {  	[smem:$0x3FB0] =	sst s3  }
0xc: {  	[smem:$0x3FB1] =	sst s4  }
0xd: {  	[smem:$0x3FB2] =	sst s5  }
0xe: {  	[smem:$0x3FB3] =	sst s6  }
0xf: {  	[smem:$0x3FB4] =	sst s7  }
0x10: {  	[smem:$0x3FB5] =	sst s8  }
0x11: {  	[smem:$0x3FB6] =	sst s9;
	s0 =	simm.s32 @!p0 $0x0  }
0x12: {  	s1 =	sld [smem:$0x3F9C];
	s0 =	simm.s32 @p0 $0x1  }
0x13: {  	[smem:$0x3FB7] =	sst s0;
	s0 =	simm.s32 @!p1 $0x0  }
0x14: {  	s2 =	sld [smem:$0x3F9B];
	s0 =	simm.s32 @p1 $0x1  }
0x15: {  	[smem:$0x3FB8] =	sst s0;
	s0 =	simm.s32 @!p2 $0x0  }
0x16: {  	s3 =	sld [smem:$0x3FDB];
	s0 =	simm.s32 @p2 $0x1  }
0x17: {  	s4 =	simm.s32 $0x1BF5;
	[smem:$0x3FBA] =	sst s0  }
0x18: {  	s0 =	sld [smem:$0x3F9D];
	_ =	swait.ge [sflag:s4], $0x0  }
0x19: {  	s7 =	sld [smem:$0x3F9E]  }
0x1a: {  	s8 =	sadd.s32 $0xFFFFE003, lr  }
0x1b: {  	s9 =	sadd.s32 $0xFFFFFEF7, lr;
	s5 =	simm.s32 $0xFFFFFFFF;
	p2 =	slt.u32 s8, $0xFFFFF086  }
0x1c: {  	p1 =	slt.u32 s9, $0xF7A;
	s5 =	simm.s32 @!p2 $0x0  }
0x1d: {  	s5 =	simm.s32 @p1 $0x1;
	p0 =	seq.s32 s7, s2  }
0x1e: {  	s7 =	smul.u32 @!p0 $0xF7A, s2;
	p2 =	seq.s32 @!p0 s5, $0x0  }
0x1f: {  	s9 =	smul.u32 $0xF7A, s1;
	s8 =	simm.s32 @!p0 $0x1BF5;
	p2 =	por !p2, p0  }
0x20: {  	[sflag:s8] =	ssyncset.s32 @!p0 $0xFFFFF086;
	s6 =	sadd.s32 @!p0 s3, s7;
	s7 =	simm.s32 @!p0 $0x108  }
0x21: {  	s3 =	sadd.s32 s3, s9;
	s6 =	sadd.s32 @!p0 $0x88, s6;
	s7 =	simm.s32 @p2 $0x1082  }
0x22: {  	[simem:s7], [sflag:s8] =	dma.local @!p0 [hbm:s6], $0xF7A  }
0x23: {  	s9 =	sor.u32 $0xD0000000, s2;
	s6 =	simm.s32 $0x108;
	_ =	swait.ge @!p0 [sflag:s8], $0x0  }
0x24: {  	s3 =	sadd.s32 $0x88, s3;
	s6 =	simm.s32 @!p1 $0x1082;
	[sflag:s4] =	ssyncset.s32 $0xFFFFF086  }
0x25: {  	[simem:s6], [sflag:s4] =	dma.local [hbm:s3], $0xF7A  }
0x26: {  	[smem:$0x3F9E] =	sst s1;
	(tag) =	ssettag s2;
	_ =	strace s9  }
0x27: {  	s1 =	sld [smem:$0x3FAE]  }
0x28: {  	s2 =	sld [smem:$0x3FAF]  }
0x29: {  	s4 =	sld [smem:$0x3FB1]  }
0x2a: {  	p0 =	seq.s32 s5, $0x0;
	s5 =	sld [smem:$0x3FB2]  }
0x2b: {  	s6 =	sld [smem:$0x3FB3]  }
0x2c: {  	s7 =	sld [smem:$0x3FB4]  }
0x2d: {  	s3 =	simm.s32 $0x108;
	s8 =	sld [smem:$0x3FB5]  }
0x2e: {  	s3 =	simm.s32 @!p0 $0x1082;
	s9 =	sld [smem:$0x3FB6]  }
0x2f: {  	lr =	sadd.s32 s0, s3;
	s0 =	sld [smem:$0x3FAD]  }
0x30: {  	s3 =	sld [smem:$0x3FB0]  }
0x31: {  	[smem:$0x3FB9] =	sst s10  }
0x32: {  	s10 =	sld [smem:$0x3FB7];
	_ =	sdelay $0x3  }
0x33: {  	p0 =	seq.s32 s10, $0x1;
	s10 =	sld [smem:$0x3FB9];
	_ =	sdelay $0x3  }
0x34: {  	[smem:$0x3FB9] =	sst s10  }
0x35: {  	s10 =	sld [smem:$0x3FB8];
	_ =	sdelay $0x3  }
0x36: {  	p1 =	seq.s32 s10, $0x1;
	s10 =	sld [smem:$0x3FB9];
	_ =	sdelay $0x3  }
0x37: {  	[smem:$0x3FB9] =	sst s10  }
0x38: {  	s10 =	sld [smem:$0x3FBA]  }
0x39: {  	_ = 	snop;
	(pc) =	sbr.ind lr, $3  }
0x3a: {  	_ = 	snop  }
0x3b: {  	_ = 	snop  }
0x3c: {  	p2 =	seq.s32 s10, $0x1;
	s10 =	sld [smem:$0x3FB9]  }
0x3d: {  	_ =	shalt  }
0x3e: {  	_ =	shalt  }
0x3f: {  	_ =	shalt  }
0x40: {  	_ =	shalt  }
0x41: {  	_ =	shalt  }
0x42: {  	_ =	shalt  }
0x43: {  	_ =	shalt  }
0x44: {  	_ =	shalt  }
0x45: {  	_ =	shalt  }
0x46: {  	_ =	shalt  }
0x47: {  	_ =	shalt  }
0x48: {  	_ =	shalt  }
0x49: {  	_ =	shalt  }
0x4a: {  	_ =	shalt  }
0x4b: {  	_ =	shalt  }
0x4c: {  	_ =	shalt  }
0x4d: {  	_ =	shalt  }
0x4e: {  	_ =	shalt  }
0x4f: {  	_ =	shalt  }
0x50: {  	_ =	shalt  }
0x51: {  	_ =	shalt  }
0x52: {  	_ =	shalt  }
0x53: {  	_ =	shalt  }
0x54: {  	_ =	shalt  }
0x55: {  	_ =	shalt  }
0x56: {  	_ =	shalt  }
0x57: {  	_ =	shalt  }
0x58: {  	_ =	shalt  }
0x59: {  	_ =	shalt  }
0x5a: {  	_ =	shalt  }
0x5b: {  	_ =	shalt  }
0x5c: {  	_ =	shalt  }
0x5d: {  	_ =	shalt  }
0x5e: {  	_ =	shalt  }
0x5f: {  	_ =	shalt  }
0x60: {  	_ =	shalt  }
0x61: {  	_ =	shalt  }
0x62: {  	_ =	shalt  }
0x63: {  	_ =	shalt  }
0x64: {  	_ =	shalt  }
0x65: {  	_ =	shalt  }
0x66: {  	_ =	shalt  }
0x67: {  	_ =	shalt  }
0x68: {  	_ =	shalt  }
0x69: {  	_ =	shalt  }
0x6a: {  	_ =	shalt  }
0x6b: {  	_ =	shalt  }
0x6c: {  	_ =	shalt  }
0x6d: {  	_ =	shalt  }
0x6e: {  	_ =	shalt  }
0x6f: {  	_ =	shalt  }
0x70: {  	_ =	shalt  }
0x71: {  	_ =	shalt  }
0x72: {  	_ =	shalt  }
0x73: {  	_ =	shalt  }
0x74: {  	_ =	shalt  }
0x75: {  	_ =	shalt  }
0x76: {  	_ =	shalt  }
0x77: {  	_ =	shalt  }
0x78: {  	_ =	shalt  }
0x79: {  	_ =	shalt  }
0x7a: {  	_ =	shalt  }
0x7b: {  	_ =	shalt  }
0x7c: {  	_ =	shalt  }
0x7d: {  	_ =	shalt  }
0x7e: {  	_ =	shalt  }
0x7f: {  	_ =	shalt  }
0x80: {  	_ =	shalt  }
0x81: {  	_ =	shalt  }
0x82: {  	_ =	shalt  }
0x83: {  	_ =	shalt  }
0x84: {  	_ =	shalt  }
0x85: {  	_ =	shalt  }
0x86: {  	_ =	shalt  }
0x87: {  	_ =	shalt  }
.Lfunc_end0:
.L_simem_size_0:
called_computation_lowered:
.L_overlay_start_0:
0x88: {  	s2 =	sld [smem:$0x3FD9]  }
0x89: {  	s3 =	sld [smem:$0x3FFE];
	_ =	sdelay $0x1  }
0x8a: {  	s1 =	srdreg.scid  }
0x8b: {  	s0 =	sand.u32 $0x1, s1  }
0x8c: {  	s17 =	sshll.u32 s0, $0xA;
	s2 =	sadd.s32 s3, s2  }
0x8d: {  	s2 =	sadd.s32 s2, s17  }
0x8e: {  	[smem:$0x3FC5] =	sst s2  }
0x8f: {  	_ = 	snop  }
0x90: {  	s2 =	sld [smem:$0x3FC9]  }
0x91: {  	s18 =	sld [smem:$0x3FC7]  }
0x92: {  	s4 =	sld [smem:$0x3FD0];
	(tm) =	ssettm $0x1  }
0x93: {  	s5 =	sld [smem:$0x3FFB];
	_ =	sdelay $0x3  }
0x94: {  	_ =	strace s5  }
0x95: {  	s5 =	sld [smem:$0x3FFC];
	_ =	sdelay $0x3  }
0x96: {  	_ =	strace s5  }
0x97: {  	s5 =	sld [smem:$0x3FFD];
	_ =	sdelay $0x3  }
0x98: {  	_ =	strace s5  }
0x99: {  	_ =	strace $0x8FFFFFFF  }
0x9a: {  	s19 =	sld [smem:$0x3FDB];
	_ =	sdelay $0x1  }
0x9b: {  	s6 =	simm.s32 $_scs_section_size  }
0x9c: {  	s7 =	simm.s32 $_size__tile_overlayer_lowered;
	s8 =	simm.s32 $_tile_overlayer_lowered  }
0x9d: {  	s22 =	simm.s32 $0x1BFF;
	s21 =	sshll.u32 s8, $0x1;
	s5 =	sadd.s32 s6, s19  }
0x9e: {  	s9 =	simm.s32 $0x0;
	s20 =	sshll.u32 s7, $0x1;
	s7 =	sadd.s32 s21, s5  }
0x9f: {  	[timem:s9], [sflag:s22] =	dma.local [hbm:s7], s20  }
0xa0: {  	_ =	swait.ge [sflag:s22], s20  }
0xa1: {  	s6 =	ssub.s32 $0x0, s20;
	[sflag:s22] =	ssyncset.done $0x0  }
0xa2: {  	[sflag:s22] =	ssyncadd.s32 s6;
	_ =	sdelay $0x1  }
0xa3: {  	s23 =	simm.s32 $0x1B8B  }
0xa4: {  	_ =	swait.ge [sflag:s23], $0x1  }
0xa5: {  	[sflag:s23] =	ssyncset.done $0x0  }
0xa6: {  	s25 =	simm.s32 $0x1B8E;
	s24 =	sld [smem:$0x3FFE];
	[sflag:s23] =	ssyncadd.s32 $0xFFFFFFFF  }
0xa7: {  	s26 =	simm.s32 $execute0_lowered;
	[smem:$0x3FD2] =	sst s25  }
0xa8: {  	s7 =	sshll.u32 s26, $0x1;
	_ =	strace $0x80000046;
	[dreg:$0x1] =	wrdreg $0xFFFFFFFF  }
0xa9: {  	s28 =	simm.s32 $_size_execute0_lowered;
	s5 =	sadd.s32 s5, s7;
	[dreg:$0x0] =	wrdreg $0x0  }
0xaa: {  	s7 =	sshll.u32 s28, $0x1;
	[dreg:$0x2] =	wrdreg s5  }
0xab: {  	[dreg:$0x3] =	wrdreg s7  }
0xac: {  	[dreg:$0x4] =	wrdreg $0xC0  }
0xad: {  	_ =	task [dreg:s9], $0x5FFFF  }
0xae: {  	[dreg:$0x1] =	wrdreg $0xFFFFFFFF  }
0xaf: {  	[dreg:$0x0] =	wrdreg $0x60  }
0xb0: {  	[dreg:$0x2] =	wrdreg s2  }
0xb1: {  	[dreg:$0x3] =	wrdreg s24  }
0xb2: {  	[dreg:$0x4] =	wrdreg s18  }
0xb3: {  	[dreg:$0x5] =	wrdreg s4  }
0xb4: {  	[dreg:$0x6] =	wrdreg $0x9  }
0xb5: {  	_ =	task.clear_ibuf [dreg:s9], $0x7FFFF;
	_ =	strace $0x90000046  }
0xb6: {  	s29 =	simm.s32 $0x9;
	_ =	strace $0x80000048  }
0xb7: {  	_ =	swait.ge [sflag:s29], $0x1  }
0xb8: {  	[sflag:s29] =	ssyncadd.s32 $0xFFFFFFFF  }
0xb9: {  	_ =	strace $0x90000048  }
0xba: {  	_ =	sfence  }
0xbb: {  	s30 =	sld [smem:$0x0];
	_ =	sdelay $0x2  }
0xbc: {  	s31 =	sshll.u32 s1, $0xD;
	s1 =	sshrl.u32 s1, $0x2  }
0xbd: {  	s3 =	sand.u32 $0x4000, s31;
	s1 =	sadd.s32 s1, s30  }
0xbe: {  	s0 =	sor.u32 s3, s0;
	s1 =	sshll.u32 s1, $0x11  }
0xbf: {  	s0 =	sor.u32 s1, s0  }
0xc0: {  	s0 =	sadd.s32 $0x8F2B, s0  }
0xc1: {  	[sflag:s0] =	ssyncadd.remote.s32 $0x1  }
0xc2: {  	_ =	sfence.sel $0xFFFF  }
0xc3: {  	[dreg:$0x0] =	wrdreg $0xFFFFFFFF;
	(pc) =	sbr.abs _section_cstart, $3  }
0xc4: {  	[dreg:$0x1] =	wrdreg $0xFFFFFFFF  }
0xc5: {  	_ =	task.clear_ibuf [dreg:s9], $0x2FFFF;
	_ =	strace $0x9FFFFFFF  }
0xc6: {  	(tm) =	ssettm $0x7FFFFFFF  }
0xc7: {  	_ =	shalt  }
tec
execute0_lowered:
.L_overlay_start_1:
0x0: {  	(tag) =	ssettag $0x1  }
0x1: {  	s1 =	rddreg [dreg:$0x0]  }
0x2: {  	s0 =	rddreg [dreg:$0x1];
	s2 =	srdreg.scid  }
0x3: {  	s3 =	stileid.u32;
	s4 =	rddreg [dreg:$0x3]  }
0x4: {  	s5 =	simm.s32 $0x0;
	s9 =	simm.s32 $0x9;
	s10 =	simm.s32 $0x11800  }
0x5: {  	s12 =	simm.s32 $0x14000;
	s13 =	simm.s32 $0x1;
	s14 =	simm.s32 $0x50  }
0x6: {  	s15 =	simm.s32 $0x16800;
	s2 =	sand.u32 $0x1, s2;
	s3 =	sshll.u32 s3, $0x1  }
0x7: {  	s16 =	simm.s32 $0x2;
	s17 =	simm.s32 $0x19000;
	s3 =	sor.u32 s2, s3  }
0x8: {  	s18 =	simm.s32 $0x3;
	s2 =	ssub.s32 $0x2, s2;
	s6 =	smul.u32 $0x1400, s3  }
.Ltmp0:
0x9: {  	s19 =	simm.s32 $0x4;
	s7 =	sshrl.u32 s2, $0x1;
	(pc) =	sbr.rel .LBB2_1-.Ltmp0, $4  }
0xa: {  	s21 =	simm.s32 $0x6;
	s23 =	simm.s32 $0x8;
	s2 =	ssub.s32 s2, s7  }
0xb: {  	[smem:$0x7FF] =	sst s5;
	s0 =	sadd.s32 s6, s0;
	s31 =	smax.u32 s2, $0x1  }
0xc: {  	_ =	strace $0x80000047;
	s0 =	sadd.s32 $0x400, s0;
	[dreg:$0x6] =	wrdreg s31  }
0xd: {  	s24 =	simm.s32 $0x0;
	s6 =	smul.u32 $0x140, s3;
	[dreg:$0x5] =	wrdreg s0  }
.LBB2_12:
0xe: {  	s0 =	simm.s32 $0x5  }
0xf: {  	_ =	swait.ge [sflag:s0], $0x2800  }
0x10: {  	[sflag:s0] =	ssyncset.done $0x0  }
0x11: {  	[sflag:s0] =	ssyncadd.s32 $0xFFFFD800  }
0x12: {  	_ =	swait.ge [sflag:s21], $0x2800  }
0x13: {  	[sflag:s21] =	ssyncset.done $0x0  }
0x14: {  	s30 =	simm.s32 $0x7;
	[sflag:s21] =	ssyncadd.s32 $0xFFFFD800  }
0x15: {  	_ =	swait.ge [sflag:s30], $0x2800  }
0x16: {  	[sflag:s30] =	ssyncset.done $0x0  }
0x17: {  	[sflag:s30] =	ssyncadd.s32 $0xFFFFD800  }
0x18: {  	_ =	swait.ge [sflag:s23], $0x2800  }
0x19: {  	s24 =	sadd.s32 $0x1, s24;
	s31 =	rddreg [dreg:$0x6]  }
0x1a: {  	p0 =	sne.s32 s24, s31  }
.Ltmp1:
0x1b: {  	_ = 	snop;
	(pc) =	sbr.rel @!p0 .LBB2_13-.Ltmp1, $3  }
0x1c: {  	_ =	sdelay $0x1  }
0x1d: {  	[sflag:s23] =	ssyncset.done $0x0  }
0x1e: {  	[sflag:s23] =	ssyncadd.s32 $0xFFFFD800  }
.LBB2_1:
0x1f: {  	s25 =	simm.s32 $0xA000;
	s0 =	rddreg [dreg:$0x2]  }
0x20: {  	[tilespmem:s25], [sflag:$0x9] =	stream.linear.gather [hbm4b:s0+s5], $0x7800, $0x38;
	[tilespmem:$0x1B800] =	vst v63  }
0x21: {  	_ =	swait.ge [sflag:s9], $0x7800  }
0x22: {  	[sflag:s9] =	ssyncset.done $0x0  }
0x23: {  	s22 =	rddreg [dreg:$0x5];
	[sflag:s9] =	ssyncadd.s32 $0xFFFF8800  }
0x24: {  	[tilespmem:s5], [sflag:$0x9] =	stream.linear.gather [hbm4b:s22+s5], $0xA000, $0x38;
	[tilespmem:$0x1B800] =	vst v63  }
0x25: {  	_ =	swait.ge [sflag:s9], $0xA000  }
0x26: {  	[sflag:s9] =	ssyncset.done $0x0  }
0x27: {  	[sflag:s9] =	ssyncadd.s32 $0xFFFF6000  }
0x28: {  	[tilespmem:s10], [sflag:$0x1] =	stream.indirect.gather [hbm4b:s1+s14], $0x80, s5, s14, $0xb8;
	[tilespmem:$0x1B800] =	vst v63  }
0x29: {  	s26 =	simm.s32 $0x80;
	s28 =	simm.s32 $0xF0;
	s29 =	simm.s32 $0x50  }
0x2a: {  	[tilespmem:s12], [sflag:$0x2] =	stream.indirect.gather [hbm4b:s1+s14], $0x80, s26, s14, $0xb8;
	[tilespmem:$0x1B800] =	vst v63  }
0x2b: {  	s30 =	simm.s32 $0x0;
	s31 =	simm.s32 $0x0;
	s26 =	simm.s32 $0xA0  }
.LBB2_2:
0x2c: {  	s0 =	smulhi.u32 $0x51EB851F, s30;
	_ =	sdelay $0x1  }
0x2d: {  	s0 =	sshrl.u32 s0, $0x6  }
0x2e: {  	s0 =	smul.u32 $0xFFFE7000, s0;
	_ =	sdelay $0x1  }
0x2f: {  	s0 =	sshra.s32 s0, $0x2  }
0x30: {  	s0 =	sadd.s32 s0, s25  }
0x31: {  	_ =	swait.ge [sflag:s13], $0x2800;
	v0 =	vmov s0  }
0x32: {  	[sflag:s13] =	ssyncset.done $0x0  }
0x33: {  	[sflag:s13] =	ssyncadd.s32 $0xFFFFD800;
	s0 =	simm.s32 $0x0  }
0x34: {  	v1 =	vld [tilespmem:s0+$0x11800];
	_ =	sdelay $0x1  }
0x35: {  	v2 =	vld.idx.msk [tilespmem:v0+s0+$0x0 ss:$0x1], $0xffff;
	_ =	sdelay $0x2  }
0x36: {  	v1 =	vmul.f32 $1.131370830e+01, v1;
	_ =	sdelay $0x1  }
0x37: {  	v1 =	vadd.f32 v2, v1;
	_ =	sdelay $0x1  }
0x38: {  	[tilespmem:s0+$0x11800] =	vst v1;
	v1 =	vld [tilespmem:s0+$0x11810];
	_ =	sdelay $0x1  }
0x39: {  	v2 =	vld.idx.msk [tilespmem:v0+s0+$0x10 ss:$0x1], $0xffff;
	_ =	sdelay $0x2  }
0x3a: {  	v1 =	vmul.f32 $1.131370830e+01, v1;
	_ =	sdelay $0x1  }
0x3b: {  	v1 =	vadd.f32 v2, v1;
	_ =	sdelay $0x1  }
0x3c: {  	[tilespmem:s0+$0x11810] =	vst v1;
	v1 =	vld [tilespmem:s0+$0x11820];
	_ =	sdelay $0x1  }
0x3d: {  	v2 =	vld.idx.msk [tilespmem:v0+s0+$0x20 ss:$0x1], $0xffff;
	_ =	sdelay $0x2  }
0x3e: {  	v1 =	vmul.f32 $1.131370830e+01, v1;
	_ =	sdelay $0x1  }
0x3f: {  	v1 =	vadd.f32 v2, v1;
	_ =	sdelay $0x1  }
0x40: {  	[tilespmem:s0+$0x11820] =	vst v1;
	v1 =	vld [tilespmem:s0+$0x11830];
	_ =	sdelay $0x1  }
0x41: {  	v2 =	vld.idx.msk [tilespmem:v0+s0+$0x30 ss:$0x1], $0xffff;
	_ =	sdelay $0x2  }
0x42: {  	v1 =	vmul.f32 $1.131370830e+01, v1;
	_ =	sdelay $0x1  }
0x43: {  	v1 =	vadd.f32 v2, v1;
	_ =	sdelay $0x1  }
0x44: {  	[tilespmem:s0+$0x11830] =	vst v1;
	v1 =	vld [tilespmem:s0+$0x11840];
	_ =	sdelay $0x1  }
0x45: {  	v2 =	vld.idx.msk [tilespmem:v0+s0+$0x40 ss:$0x1], $0xffff;
	_ =	sdelay $0x2  }
0x46: {  	v1 =	vmul.f32 $1.131370830e+01, v1;
	_ =	sdelay $0x1  }
0x47: {  	v1 =	vadd.f32 v2, v1;
	_ =	sdelay $0x1  }
0x48: {  	[tilespmem:s0+$0x11840] =	vst v1;
	v1 =	vld [tilespmem:s0+$0x11850];
	_ =	sdelay $0x1  }
0x49: {  	v2 =	vld.idx.msk [tilespmem:v0+s0+$0x50 ss:$0x1], $0xffff;
	_ =	sdelay $0x2  }
0x4a: {  	v1 =	vmul.f32 $1.131370830e+01, v1;
	_ =	sdelay $0x1  }
0x4b: {  	v1 =	vadd.f32 v2, v1;
	_ =	sdelay $0x1  }
0x4c: {  	[tilespmem:s0+$0x11850] =	vst v1;
	v1 =	vld [tilespmem:s0+$0x11860];
	_ =	sdelay $0x1  }
0x4d: {  	v2 =	vld.idx.msk [tilespmem:v0+s0+$0x60 ss:$0x1], $0xffff;
	_ =	sdelay $0x2  }
0x4e: {  	v1 =	vmul.f32 $1.131370830e+01, v1;
	_ =	sdelay $0x1  }
0x4f: {  	v1 =	vadd.f32 v2, v1;
	_ =	sdelay $0x1  }
0x50: {  	s2 =	smulhi.u32 $0x51EB851F, s28;
	[tilespmem:s0+$0x11860] =	vst v1;
	v1 =	vld [tilespmem:s0+$0x11870]  }
0x51: {  	s3 =	smulhi.u32 $0x51EB851F, s26  }
0x52: {  	s7 =	smulhi.u32 $0x51EB851F, s29;
	s2 =	sshrl.u32 s2, $0x6;
	v2 =	vld.idx.msk [tilespmem:v0+s0+$0x70 ss:$0x1], $0xffff  }
0x53: {  	s3 =	sshrl.u32 s3, $0x6;
	s2 =	smul.u32 $0xFFFE7000, s2  }
0x54: {  	s7 =	sshrl.u32 s7, $0x6;
	s3 =	smul.u32 $0xFFFE7000, s3  }
0x55: {  	s7 =	smul.u32 $0xFFFE7000, s7;
	v1 =	vmul.f32 $1.131370830e+01, v1  }
0x56: {  	s8 =	simm.s32 $0x80;
	s2 =	sshra.s32 s2, $0x2  }
0x57: {  	s3 =	sshra.s32 s3, $0x2;
	s22 =	sshra.s32 s7, $0x2;
	s2 =	sadd.s32 s2, s25;
	v1 =	vadd.f32 v2, v1  }
0x58: {  	s11 =	sadd.s32 s3, s25;
	s7 =	sadd.s32 s22, s25;
	s3 =	simm.s32 $0x400  }
.LBB2_3:
0x59: {  	p0 =	sne.s32 s3, $0x9E00;
	v2 =	vld [tilespmem:s8+$0x11800];
	[tilespmem:s0+$0x11870] =	vst v1;
	s0 =	smov.u32 s8  }
0x5a: {  	v1 =	vld.idx.msk [tilespmem:v0+s0+$0x0 ss:$0x1], $0xffff;
	_ =	sdelay $0x3  }
0x5b: {  	v2 =	vmul.f32 $1.131370830e+01, v2;
	_ =	sdelay $0x1  }
0x5c: {  	v1 =	vadd.f32 v1, v2;
	_ =	sdelay $0x1  }
0x5d: {  	[tilespmem:s0+$0x11800] =	vst v1;
	v1 =	vld [tilespmem:s0+$0x11810]  }
0x5e: {  	v2 =	vld.idx.msk [tilespmem:v0+s0+$0x10 ss:$0x1], $0xffff;
	_ =	sdelay $0x3  }
0x5f: {  	v1 =	vmul.f32 $1.131370830e+01, v1;
	_ =	sdelay $0x1  }
0x60: {  	v1 =	vadd.f32 v2, v1;
	_ =	sdelay $0x1  }
0x61: {  	[tilespmem:s0+$0x11810] =	vst v1;
	v1 =	vld [tilespmem:s0+$0x11820]  }
0x62: {  	v2 =	vld.idx.msk [tilespmem:v0+s0+$0x20 ss:$0x1], $0xffff;
	_ =	sdelay $0x3  }
0x63: {  	v1 =	vmul.f32 $1.131370830e+01, v1;
	_ =	sdelay $0x1  }
0x64: {  	v1 =	vadd.f32 v2, v1;
	_ =	sdelay $0x1  }
0x65: {  	[tilespmem:s0+$0x11820] =	vst v1;
	v1 =	vld [tilespmem:s0+$0x11830]  }
0x66: {  	v2 =	vld.idx.msk [tilespmem:v0+s0+$0x30 ss:$0x1], $0xffff;
	_ =	sdelay $0x3  }
0x67: {  	v1 =	vmul.f32 $1.131370830e+01, v1;
	_ =	sdelay $0x1  }
0x68: {  	v1 =	vadd.f32 v2, v1;
	_ =	sdelay $0x1  }
0x69: {  	[tilespmem:s0+$0x11830] =	vst v1;
	v1 =	vld [tilespmem:s0+$0x11840]  }
0x6a: {  	v2 =	vld.idx.msk [tilespmem:v0+s0+$0x40 ss:$0x1], $0xffff;
	_ =	sdelay $0x3  }
0x6b: {  	v1 =	vmul.f32 $1.131370830e+01, v1;
	_ =	sdelay $0x1  }
0x6c: {  	v1 =	vadd.f32 v2, v1;
	_ =	sdelay $0x1  }
0x6d: {  	[tilespmem:s0+$0x11840] =	vst v1;
	v1 =	vld [tilespmem:s0+$0x11850]  }
0x6e: {  	v2 =	vld.idx.msk [tilespmem:v0+s0+$0x50 ss:$0x1], $0xffff;
	_ =	sdelay $0x3  }
0x6f: {  	v1 =	vmul.f32 $1.131370830e+01, v1;
	_ =	sdelay $0x1  }
0x70: {  	v1 =	vadd.f32 v2, v1;
	_ =	sdelay $0x1  }
0x71: {  	[tilespmem:s0+$0x11850] =	vst v1;
	v1 =	vld [tilespmem:s0+$0x11860]  }
0x72: {  	v2 =	vld.idx.msk [tilespmem:v0+s0+$0x60 ss:$0x1], $0xffff;
	_ =	sdelay $0x3  }
0x73: {  	v1 =	vmul.f32 $1.131370830e+01, v1;
	_ =	sdelay $0x1  }
0x74: {  	v1 =	vadd.f32 v2, v1;
	_ =	sdelay $0x1  }
0x75: {  	[tilespmem:s0+$0x11860] =	vst v1;
	v1 =	vld [tilespmem:s0+$0x11870]  }
0x76: {  	v2 =	vld.idx.msk [tilespmem:v0+s0+$0x70 ss:$0x1], $0xffff;
	_ =	sdelay $0x2  }
.Ltmp2:
0x77: {  	(pc) =	sbr.rel @p0 .LBB2_3-.Ltmp2, $3  }
0x78: {  	v1 =	vmul.f32 $1.131370830e+01, v1;
	_ =	sdelay $0x1  }
0x79: {  	v1 =	vadd.f32 v2, v1  }
0x7a: {  	s8 =	sshra.s32 s3, $0x2;
	s3 =	sadd.s32 $0x200, s3  }
0x7b: {  	_ =	sdelay $0x1  }
0x7c: {  	v2 =	vld [tilespmem:s8+$0x11800]  }
0x7d: {  	[tilespmem:s0+$0x11870] =	vst v1  }
0x7e: {  	v1 =	vld.idx.msk [tilespmem:v0+s8+$0x0 ss:$0x1], $0xffff;
	_ =	sdelay $0x2  }
0x7f: {  	v2 =	vmul.f32 $1.131370830e+01, v2;
	_ =	sdelay $0x1  }
0x80: {  	v1 =	vadd.f32 v1, v2;
	_ =	sdelay $0x1  }
0x81: {  	[tilespmem:s8+$0x11800] =	vst v1;
	v1 =	vld [tilespmem:s8+$0x11810];
	_ =	sdelay $0x1  }
0x82: {  	v2 =	vld.idx.msk [tilespmem:v0+s8+$0x10 ss:$0x1], $0xffff;
	_ =	sdelay $0x2  }
0x83: {  	v1 =	vmul.f32 $1.131370830e+01, v1;
	_ =	sdelay $0x1  }
0x84: {  	v1 =	vadd.f32 v2, v1;
	_ =	sdelay $0x1  }
0x85: {  	[tilespmem:s8+$0x11810] =	vst v1;
	v1 =	vld [tilespmem:s8+$0x11820];
	_ =	sdelay $0x1  }
0x86: {  	v2 =	vld.idx.msk [tilespmem:v0+s8+$0x20 ss:$0x1], $0xffff;
	_ =	sdelay $0x2  }
0x87: {  	v1 =	vmul.f32 $1.131370830e+01, v1;
	_ =	sdelay $0x1  }
0x88: {  	v1 =	vadd.f32 v2, v1;
	_ =	sdelay $0x1  }
0x89: {  	[tilespmem:s8+$0x11820] =	vst v1;
	v1 =	vld [tilespmem:s8+$0x11830];
	_ =	sdelay $0x1  }
0x8a: {  	v2 =	vld.idx.msk [tilespmem:v0+s8+$0x30 ss:$0x1], $0xffff;
	_ =	sdelay $0x2  }
0x8b: {  	v1 =	vmul.f32 $1.131370830e+01, v1;
	_ =	sdelay $0x1  }
0x8c: {  	v1 =	vadd.f32 v2, v1;
	_ =	sdelay $0x1  }
0x8d: {  	[tilespmem:s8+$0x11830] =	vst v1;
	v1 =	vld [tilespmem:s8+$0x11840];
	_ =	sdelay $0x1  }
0x8e: {  	v2 =	vld.idx.msk [tilespmem:v0+s8+$0x40 ss:$0x1], $0xffff;
	_ =	sdelay $0x2  }
0x8f: {  	v1 =	vmul.f32 $1.131370830e+01, v1;
	_ =	sdelay $0x1  }
0x90: {  	v1 =	vadd.f32 v2, v1;
	_ =	sdelay $0x1  }
0x91: {  	[tilespmem:s8+$0x11840] =	vst v1;
	v1 =	vld [tilespmem:s8+$0x11850];
	_ =	sdelay $0x1  }
0x92: {  	v2 =	vld.idx.msk [tilespmem:v0+s8+$0x50 ss:$0x1], $0xffff;
	_ =	sdelay $0x2  }
0x93: {  	v1 =	vmul.f32 $1.131370830e+01, v1;
	_ =	sdelay $0x1  }
0x94: {  	v1 =	vadd.f32 v2, v1;
	_ =	sdelay $0x1  }
0x95: {  	[tilespmem:s8+$0x11850] =	vst v1;
	v1 =	vld [tilespmem:s8+$0x11860];
	_ =	sdelay $0x1  }
0x96: {  	v2 =	vld.idx.msk [tilespmem:v0+s8+$0x60 ss:$0x1], $0xffff;
	_ =	sdelay $0x2  }
0x97: {  	v1 =	vmul.f32 $1.131370830e+01, v1;
	_ =	sdelay $0x1  }
0x98: {  	v1 =	vadd.f32 v2, v1;
	_ =	sdelay $0x1  }
0x99: {  	[tilespmem:s8+$0x11860] =	vst v1;
	v1 =	vld [tilespmem:s8+$0x11870];
	_ =	sdelay $0x1  }
0x9a: {  	v0 =	vld.idx.msk [tilespmem:v0+s8+$0x70 ss:$0x1], $0xffff;
	_ =	sdelay $0x2  }
0x9b: {  	s0 =	sshll.u32 s31, $0x2;
	v1 =	vmul.f32 $1.131370830e+01, v1  }
0x9c: {  	s3 =	sadd.s32 s6, s0  }
0x9d: {  	s3 =	smul.u32 $0x500, s3;
	v0 =	vadd.f32 v0, v1  }
0x9e: {  	p0 =	seq.s32 s31, $0x0  }
0x9f: {  	s3 =	sadd.s32 s4, s3;
	[tilespmem:s8+$0x11870] =	vst v0;
	s8 =	simm.s32 @!p0 $0x7  }
0xa0: {  	[hbm4b:s3+s5] =	stream.linear.scatter [tilespmem:s10], [sflag:$0x5], $0x2800, $0x38;
	[tilespmem:$0x1B800] =	vst v63  }
0xa1: {  	s3 =	sor.u32 $0x2, s0;
	_ =	swait.ge @!p0 [sflag:s8], $0x2800  }
0xa2: {  	s20 =	sshll.u32 s3, $0x7;
	[sflag:s8] =	ssyncset.done @!p0 $0x0  }
0xa3: {  	s22 =	sand.u32 $0x3FFFFF80, s20;
	[sflag:s8] =	ssyncadd.s32 @!p0 $0xFFFFD800  }
0xa4: {  	[tilespmem:s15], [sflag:$0x3] =	stream.indirect.gather [hbm4b:s1+s14], $0x80, s22, s14, $0xb8;
	[tilespmem:$0x1B800] =	vst v63  }
0xa5: {  	v0 =	vmov s7;
	_ =	swait.ge [sflag:s16], $0x2800  }
0xa6: {  	[sflag:s16] =	ssyncset.done $0x0  }
0xa7: {  	s7 =	simm.s32 $0x0;
	[sflag:s16] =	ssyncadd.s32 $0xFFFFD800  }
0xa8: {  	v1 =	vld [tilespmem:s7+$0x14000];
	_ =	sdelay $0x1  }
0xa9: {  	v2 =	vld.idx.msk [tilespmem:v0+s7+$0x2800 ss:$0x1], $0xffff;
	_ =	sdelay $0x2  }
0xaa: {  	v1 =	vmul.f32 $1.131370830e+01, v1;
	_ =	sdelay $0x1  }
0xab: {  	v1 =	vadd.f32 v2, v1;
	_ =	sdelay $0x1  }
0xac: {  	[tilespmem:s7+$0x14000] =	vst v1;
	v1 =	vld [tilespmem:s7+$0x14010];
	_ =	sdelay $0x1  }
0xad: {  	v2 =	vld.idx.msk [tilespmem:v0+s7+$0x2810 ss:$0x1], $0xffff;
	_ =	sdelay $0x2  }
0xae: {  	v1 =	vmul.f32 $1.131370830e+01, v1;
	_ =	sdelay $0x1  }
0xaf: {  	v1 =	vadd.f32 v2, v1;
	_ =	sdelay $0x1  }
0xb0: {  	[tilespmem:s7+$0x14010] =	vst v1;
	v1 =	vld [tilespmem:s7+$0x14020];
	_ =	sdelay $0x1  }
0xb1: {  	v2 =	vld.idx.msk [tilespmem:v0+s7+$0x2820 ss:$0x1], $0xffff;
	_ =	sdelay $0x2  }
0xb2: {  	v1 =	vmul.f32 $1.131370830e+01, v1;
	_ =	sdelay $0x1  }
0xb3: {  	v1 =	vadd.f32 v2, v1;
	_ =	sdelay $0x1  }
0xb4: {  	[tilespmem:s7+$0x14020] =	vst v1;
	v1 =	vld [tilespmem:s7+$0x14030];
	_ =	sdelay $0x1  }
0xb5: {  	v2 =	vld.idx.msk [tilespmem:v0+s7+$0x2830 ss:$0x1], $0xffff;
	_ =	sdelay $0x2  }
0xb6: {  	v1 =	vmul.f32 $1.131370830e+01, v1;
	_ =	sdelay $0x1  }
0xb7: {  	v1 =	vadd.f32 v2, v1;
	_ =	sdelay $0x1  }
0xb8: {  	[tilespmem:s7+$0x14030] =	vst v1;
	v1 =	vld [tilespmem:s7+$0x14040];
	_ =	sdelay $0x1  }
0xb9: {  	v2 =	vld.idx.msk [tilespmem:v0+s7+$0x2840 ss:$0x1], $0xffff;
	_ =	sdelay $0x2  }
0xba: {  	v1 =	vmul.f32 $1.131370830e+01, v1;
	_ =	sdelay $0x1  }
0xbb: {  	v1 =	vadd.f32 v2, v1;
	_ =	sdelay $0x1  }
0xbc: {  	[tilespmem:s7+$0x14040] =	vst v1;
	v1 =	vld [tilespmem:s7+$0x14050];
	_ =	sdelay $0x1  }
0xbd: {  	v2 =	vld.idx.msk [tilespmem:v0+s7+$0x2850 ss:$0x1], $0xffff;
	_ =	sdelay $0x2  }
0xbe: {  	v1 =	vmul.f32 $1.131370830e+01, v1;
	_ =	sdelay $0x1  }
0xbf: {  	v1 =	vadd.f32 v2, v1;
	_ =	sdelay $0x1  }
0xc0: {  	[tilespmem:s7+$0x14050] =	vst v1;
	v1 =	vld [tilespmem:s7+$0x14060];
	_ =	sdelay $0x1  }
0xc1: {  	v2 =	vld.idx.msk [tilespmem:v0+s7+$0x2860 ss:$0x1], $0xffff;
	_ =	sdelay $0x2  }
0xc2: {  	v1 =	vmul.f32 $1.131370830e+01, v1;
	_ =	sdelay $0x1  }
0xc3: {  	v1 =	vadd.f32 v2, v1;
	_ =	sdelay $0x1  }
0xc4: {  	[tilespmem:s7+$0x14060] =	vst v1;
	v1 =	vld [tilespmem:s7+$0x14070];
	_ =	sdelay $0x1  }
0xc5: {  	v2 =	vld.idx.msk [tilespmem:v0+s7+$0x2870 ss:$0x1], $0xffff;
	_ =	sdelay $0x2  }
0xc6: {  	v1 =	vmul.f32 $1.131370830e+01, v1;
	_ =	sdelay $0x1  }
0xc7: {  	v1 =	vadd.f32 v2, v1  }
0xc8: {  	s20 =	simm.s32 $0x400;
	s8 =	sor.u32 $0x1, s0;
	s22 =	simm.s32 $0x80  }
.LBB2_5:
0xc9: {  	p1 =	sne.s32 s20, $0x9E00;
	v2 =	vld [tilespmem:s22+$0x14000];
	[tilespmem:s7+$0x14070] =	vst v1;
	s7 =	smov.u32 s22  }
0xca: {  	v1 =	vld.idx.msk [tilespmem:v0+s7+$0x2800 ss:$0x1], $0xffff;
	_ =	sdelay $0x3  }
0xcb: {  	v2 =	vmul.f32 $1.131370830e+01, v2;
	_ =	sdelay $0x1  }
0xcc: {  	v1 =	vadd.f32 v1, v2;
	_ =	sdelay $0x1  }
0xcd: {  	[tilespmem:s7+$0x14000] =	vst v1;
	v1 =	vld [tilespmem:s7+$0x14010]  }
0xce: {  	v2 =	vld.idx.msk [tilespmem:v0+s7+$0x2810 ss:$0x1], $0xffff;
	_ =	sdelay $0x3  }
0xcf: {  	v1 =	vmul.f32 $1.131370830e+01, v1;
	_ =	sdelay $0x1  }
0xd0: {  	v1 =	vadd.f32 v2, v1;
	_ =	sdelay $0x1  }
0xd1: {  	[tilespmem:s7+$0x14010] =	vst v1;
	v1 =	vld [tilespmem:s7+$0x14020]  }
0xd2: {  	v2 =	vld.idx.msk [tilespmem:v0+s7+$0x2820 ss:$0x1], $0xffff;
	_ =	sdelay $0x3  }
0xd3: {  	v1 =	vmul.f32 $1.131370830e+01, v1;
	_ =	sdelay $0x1  }
0xd4: {  	v1 =	vadd.f32 v2, v1;
	_ =	sdelay $0x1  }
0xd5: {  	[tilespmem:s7+$0x14020] =	vst v1;
	v1 =	vld [tilespmem:s7+$0x14030]  }
0xd6: {  	v2 =	vld.idx.msk [tilespmem:v0+s7+$0x2830 ss:$0x1], $0xffff;
	_ =	sdelay $0x3  }
0xd7: {  	v1 =	vmul.f32 $1.131370830e+01, v1;
	_ =	sdelay $0x1  }
0xd8: {  	v1 =	vadd.f32 v2, v1;
	_ =	sdelay $0x1  }
0xd9: {  	[tilespmem:s7+$0x14030] =	vst v1;
	v1 =	vld [tilespmem:s7+$0x14040]  }
0xda: {  	v2 =	vld.idx.msk [tilespmem:v0+s7+$0x2840 ss:$0x1], $0xffff;
	_ =	sdelay $0x3  }
0xdb: {  	v1 =	vmul.f32 $1.131370830e+01, v1;
	_ =	sdelay $0x1  }
0xdc: {  	v1 =	vadd.f32 v2, v1;
	_ =	sdelay $0x1  }
0xdd: {  	[tilespmem:s7+$0x14040] =	vst v1;
	v1 =	vld [tilespmem:s7+$0x14050]  }
0xde: {  	v2 =	vld.idx.msk [tilespmem:v0+s7+$0x2850 ss:$0x1], $0xffff;
	_ =	sdelay $0x3  }
0xdf: {  	v1 =	vmul.f32 $1.131370830e+01, v1;
	_ =	sdelay $0x1  }
0xe0: {  	v1 =	vadd.f32 v2, v1;
	_ =	sdelay $0x1  }
0xe1: {  	[tilespmem:s7+$0x14050] =	vst v1;
	v1 =	vld [tilespmem:s7+$0x14060]  }
0xe2: {  	v2 =	vld.idx.msk [tilespmem:v0+s7+$0x2860 ss:$0x1], $0xffff;
	_ =	sdelay $0x3  }
0xe3: {  	v1 =	vmul.f32 $1.131370830e+01, v1;
	_ =	sdelay $0x1  }
0xe4: {  	v1 =	vadd.f32 v2, v1;
	_ =	sdelay $0x1  }
0xe5: {  	[tilespmem:s7+$0x14060] =	vst v1;
	v1 =	vld [tilespmem:s7+$0x14070]  }
0xe6: {  	v2 =	vld.idx.msk [tilespmem:v0+s7+$0x2870 ss:$0x1], $0xffff;
	_ =	sdelay $0x2  }
.Ltmp3:
0xe7: {  	(pc) =	sbr.rel @p1 .LBB2_5-.Ltmp3, $3  }
0xe8: {  	v1 =	vmul.f32 $1.131370830e+01, v1;
	_ =	sdelay $0x1  }
0xe9: {  	v1 =	vadd.f32 v2, v1  }
0xea: {  	s22 =	sshra.s32 s20, $0x2;
	s20 =	sadd.s32 $0x200, s20  }
0xeb: {  	_ =	sdelay $0x1  }
0xec: {  	v2 =	vld [tilespmem:s22+$0x14000]  }
0xed: {  	[tilespmem:s7+$0x14070] =	vst v1  }
0xee: {  	v1 =	vld.idx.msk [tilespmem:v0+s22+$0x2800 ss:$0x1], $0xffff;
	_ =	sdelay $0x2  }
0xef: {  	v2 =	vmul.f32 $1.131370830e+01, v2;
	_ =	sdelay $0x1  }
0xf0: {  	v1 =	vadd.f32 v1, v2;
	_ =	sdelay $0x1  }
0xf1: {  	[tilespmem:s22+$0x14000] =	vst v1;
	v1 =	vld [tilespmem:s22+$0x14010];
	_ =	sdelay $0x1  }
0xf2: {  	v2 =	vld.idx.msk [tilespmem:v0+s22+$0x2810 ss:$0x1], $0xffff;
	_ =	sdelay $0x2  }
0xf3: {  	v1 =	vmul.f32 $1.131370830e+01, v1;
	_ =	sdelay $0x1  }
0xf4: {  	v1 =	vadd.f32 v2, v1;
	_ =	sdelay $0x1  }
0xf5: {  	[tilespmem:s22+$0x14010] =	vst v1;
	v1 =	vld [tilespmem:s22+$0x14020];
	_ =	sdelay $0x1  }
0xf6: {  	v2 =	vld.idx.msk [tilespmem:v0+s22+$0x2820 ss:$0x1], $0xffff;
	_ =	sdelay $0x2  }
0xf7: {  	v1 =	vmul.f32 $1.131370830e+01, v1;
	_ =	sdelay $0x1  }
0xf8: {  	v1 =	vadd.f32 v2, v1;
	_ =	sdelay $0x1  }
0xf9: {  	[tilespmem:s22+$0x14020] =	vst v1;
	v1 =	vld [tilespmem:s22+$0x14030];
	_ =	sdelay $0x1  }
0xfa: {  	v2 =	vld.idx.msk [tilespmem:v0+s22+$0x2830 ss:$0x1], $0xffff;
	_ =	sdelay $0x2  }
0xfb: {  	v1 =	vmul.f32 $1.131370830e+01, v1;
	_ =	sdelay $0x1  }
0xfc: {  	v1 =	vadd.f32 v2, v1;
	_ =	sdelay $0x1  }
0xfd: {  	[tilespmem:s22+$0x14030] =	vst v1;
	v1 =	vld [tilespmem:s22+$0x14040];
	_ =	sdelay $0x1  }
0xfe: {  	v2 =	vld.idx.msk [tilespmem:v0+s22+$0x2840 ss:$0x1], $0xffff;
	_ =	sdelay $0x2  }
0xff: {  	v1 =	vmul.f32 $1.131370830e+01, v1;
	_ =	sdelay $0x1  }
0x100: {  	v1 =	vadd.f32 v2, v1;
	_ =	sdelay $0x1  }
0x101: {  	[tilespmem:s22+$0x14040] =	vst v1;
	v1 =	vld [tilespmem:s22+$0x14050];
	_ =	sdelay $0x1  }
0x102: {  	v2 =	vld.idx.msk [tilespmem:v0+s22+$0x2850 ss:$0x1], $0xffff;
	_ =	sdelay $0x2  }
0x103: {  	v1 =	vmul.f32 $1.131370830e+01, v1;
	_ =	sdelay $0x1  }
0x104: {  	v1 =	vadd.f32 v2, v1;
	_ =	sdelay $0x1  }
0x105: {  	[tilespmem:s22+$0x14050] =	vst v1;
	v1 =	vld [tilespmem:s22+$0x14060];
	_ =	sdelay $0x1  }
0x106: {  	v2 =	vld.idx.msk [tilespmem:v0+s22+$0x2860 ss:$0x1], $0xffff;
	_ =	sdelay $0x2  }
0x107: {  	v1 =	vmul.f32 $1.131370830e+01, v1;
	_ =	sdelay $0x1  }
0x108: {  	v1 =	vadd.f32 v2, v1;
	_ =	sdelay $0x1  }
0x109: {  	[tilespmem:s22+$0x14060] =	vst v1;
	v1 =	vld [tilespmem:s22+$0x14070];
	_ =	sdelay $0x1  }
0x10a: {  	v0 =	vld.idx.msk [tilespmem:v0+s22+$0x2870 ss:$0x1], $0xffff;
	_ =	sdelay $0x2  }
0x10b: {  	v1 =	vmul.f32 $1.131370830e+01, v1  }
0x10c: {  	s8 =	sadd.s32 s6, s8  }
0x10d: {  	s7 =	smul.u32 $0x500, s8;
	v0 =	vadd.f32 v0, v1;
	_ =	sdelay $0x1  }
0x10e: {  	s7 =	sadd.s32 s4, s7;
	[tilespmem:s22+$0x14070] =	vst v0  }
0x10f: {  	[hbm4b:s7+s5] =	stream.linear.scatter [tilespmem:s12], [sflag:$0x6], $0x2800, $0x38;
	[tilespmem:$0x1B800] =	vst v63  }
0x110: {  	s7 =	simm.s32 @!p0 $0x8  }
0x111: {  	s0 =	sor.u32 $0x3, s0;
	_ =	swait.ge @!p0 [sflag:s7], $0x2800  }
0x112: {  	s20 =	sshll.u32 s0, $0x7;
	[sflag:s7] =	ssyncset.done @!p0 $0x0  }
0x113: {  	s22 =	sand.u32 $0x3FFFFF80, s20;
	[sflag:s7] =	ssyncadd.s32 @!p0 $0xFFFFD800  }
0x114: {  	[tilespmem:s17], [sflag:$0x4] =	stream.indirect.gather [hbm4b:s1+s14], $0x80, s22, s14, $0xb8;
	[tilespmem:$0x1B800] =	vst v63  }
0x115: {  	v0 =	vmov s11;
	_ =	swait.ge [sflag:s18], $0x2800  }
0x116: {  	[sflag:s18] =	ssyncset.done $0x0  }
0x117: {  	s7 =	simm.s32 $0x0;
	[sflag:s18] =	ssyncadd.s32 $0xFFFFD800  }
0x118: {  	v1 =	vld [tilespmem:s7+$0x16800];
	_ =	sdelay $0x1  }
0x119: {  	v2 =	vld.idx.msk [tilespmem:v0+s7+$0x5000 ss:$0x1], $0xffff;
	_ =	sdelay $0x2  }
0x11a: {  	v1 =	vmul.f32 $1.131370830e+01, v1;
	_ =	sdelay $0x1  }
0x11b: {  	v1 =	vadd.f32 v2, v1;
	_ =	sdelay $0x1  }
0x11c: {  	[tilespmem:s7+$0x16800] =	vst v1;
	v1 =	vld [tilespmem:s7+$0x16810];
	_ =	sdelay $0x1  }
0x11d: {  	v2 =	vld.idx.msk [tilespmem:v0+s7+$0x5010 ss:$0x1], $0xffff;
	_ =	sdelay $0x2  }
0x11e: {  	v1 =	vmul.f32 $1.131370830e+01, v1;
	_ =	sdelay $0x1  }
0x11f: {  	v1 =	vadd.f32 v2, v1;
	_ =	sdelay $0x1  }
0x120: {  	[tilespmem:s7+$0x16810] =	vst v1;
	v1 =	vld [tilespmem:s7+$0x16820];
	_ =	sdelay $0x1  }
0x121: {  	v2 =	vld.idx.msk [tilespmem:v0+s7+$0x5020 ss:$0x1], $0xffff;
	_ =	sdelay $0x2  }
0x122: {  	v1 =	vmul.f32 $1.131370830e+01, v1;
	_ =	sdelay $0x1  }
0x123: {  	v1 =	vadd.f32 v2, v1;
	_ =	sdelay $0x1  }
0x124: {  	[tilespmem:s7+$0x16820] =	vst v1;
	v1 =	vld [tilespmem:s7+$0x16830];
	_ =	sdelay $0x1  }
0x125: {  	v2 =	vld.idx.msk [tilespmem:v0+s7+$0x5030 ss:$0x1], $0xffff;
	_ =	sdelay $0x2  }
0x126: {  	v1 =	vmul.f32 $1.131370830e+01, v1;
	_ =	sdelay $0x1  }
0x127: {  	v1 =	vadd.f32 v2, v1;
	_ =	sdelay $0x1  }
0x128: {  	[tilespmem:s7+$0x16830] =	vst v1;
	v1 =	vld [tilespmem:s7+$0x16840];
	_ =	sdelay $0x1  }
0x129: {  	v2 =	vld.idx.msk [tilespmem:v0+s7+$0x5040 ss:$0x1], $0xffff;
	_ =	sdelay $0x2  }
0x12a: {  	v1 =	vmul.f32 $1.131370830e+01, v1;
	_ =	sdelay $0x1  }
0x12b: {  	v1 =	vadd.f32 v2, v1;
	_ =	sdelay $0x1  }
0x12c: {  	[tilespmem:s7+$0x16840] =	vst v1;
	v1 =	vld [tilespmem:s7+$0x16850];
	_ =	sdelay $0x1  }
0x12d: {  	v2 =	vld.idx.msk [tilespmem:v0+s7+$0x5050 ss:$0x1], $0xffff;
	_ =	sdelay $0x2  }
0x12e: {  	v1 =	vmul.f32 $1.131370830e+01, v1;
	_ =	sdelay $0x1  }
0x12f: {  	v1 =	vadd.f32 v2, v1;
	_ =	sdelay $0x1  }
0x130: {  	[tilespmem:s7+$0x16850] =	vst v1;
	v1 =	vld [tilespmem:s7+$0x16860];
	_ =	sdelay $0x1  }
0x131: {  	v2 =	vld.idx.msk [tilespmem:v0+s7+$0x5060 ss:$0x1], $0xffff;
	_ =	sdelay $0x2  }
0x132: {  	v1 =	vmul.f32 $1.131370830e+01, v1;
	_ =	sdelay $0x1  }
0x133: {  	v1 =	vadd.f32 v2, v1;
	_ =	sdelay $0x1  }
0x134: {  	[tilespmem:s7+$0x16860] =	vst v1;
	v1 =	vld [tilespmem:s7+$0x16870];
	_ =	sdelay $0x1  }
0x135: {  	v2 =	vld.idx.msk [tilespmem:v0+s7+$0x5070 ss:$0x1], $0xffff;
	_ =	sdelay $0x2  }
0x136: {  	v1 =	vmul.f32 $1.131370830e+01, v1;
	_ =	sdelay $0x1  }
0x137: {  	v1 =	vadd.f32 v2, v1  }
0x138: {  	s8 =	simm.s32 $0x400;
	s11 =	simm.s32 $0x80  }
.LBB2_7:
0x139: {  	p0 =	sne.s32 s8, $0x9E00;
	v2 =	vld [tilespmem:s11+$0x16800];
	[tilespmem:s7+$0x16870] =	vst v1;
	s7 =	smov.u32 s11  }
0x13a: {  	v1 =	vld.idx.msk [tilespmem:v0+s7+$0x5000 ss:$0x1], $0xffff;
	_ =	sdelay $0x3  }
0x13b: {  	v2 =	vmul.f32 $1.131370830e+01, v2;
	_ =	sdelay $0x1  }
0x13c: {  	v1 =	vadd.f32 v1, v2;
	_ =	sdelay $0x1  }
0x13d: {  	[tilespmem:s7+$0x16800] =	vst v1;
	v1 =	vld [tilespmem:s7+$0x16810]  }
0x13e: {  	v2 =	vld.idx.msk [tilespmem:v0+s7+$0x5010 ss:$0x1], $0xffff;
	_ =	sdelay $0x3  }
0x13f: {  	v1 =	vmul.f32 $1.131370830e+01, v1;
	_ =	sdelay $0x1  }
0x140: {  	v1 =	vadd.f32 v2, v1;
	_ =	sdelay $0x1  }
0x141: {  	[tilespmem:s7+$0x16810] =	vst v1;
	v1 =	vld [tilespmem:s7+$0x16820]  }
0x142: {  	v2 =	vld.idx.msk [tilespmem:v0+s7+$0x5020 ss:$0x1], $0xffff;
	_ =	sdelay $0x3  }
0x143: {  	v1 =	vmul.f32 $1.131370830e+01, v1;
	_ =	sdelay $0x1  }
0x144: {  	v1 =	vadd.f32 v2, v1;
	_ =	sdelay $0x1  }
0x145: {  	[tilespmem:s7+$0x16820] =	vst v1;
	v1 =	vld [tilespmem:s7+$0x16830]  }
0x146: {  	v2 =	vld.idx.msk [tilespmem:v0+s7+$0x5030 ss:$0x1], $0xffff;
	_ =	sdelay $0x3  }
0x147: {  	v1 =	vmul.f32 $1.131370830e+01, v1;
	_ =	sdelay $0x1  }
0x148: {  	v1 =	vadd.f32 v2, v1;
	_ =	sdelay $0x1  }
0x149: {  	[tilespmem:s7+$0x16830] =	vst v1;
	v1 =	vld [tilespmem:s7+$0x16840]  }
0x14a: {  	v2 =	vld.idx.msk [tilespmem:v0+s7+$0x5040 ss:$0x1], $0xffff;
	_ =	sdelay $0x3  }
0x14b: {  	v1 =	vmul.f32 $1.131370830e+01, v1;
	_ =	sdelay $0x1  }
0x14c: {  	v1 =	vadd.f32 v2, v1;
	_ =	sdelay $0x1  }
0x14d: {  	[tilespmem:s7+$0x16840] =	vst v1;
	v1 =	vld [tilespmem:s7+$0x16850]  }
0x14e: {  	v2 =	vld.idx.msk [tilespmem:v0+s7+$0x5050 ss:$0x1], $0xffff;
	_ =	sdelay $0x3  }
0x14f: {  	v1 =	vmul.f32 $1.131370830e+01, v1;
	_ =	sdelay $0x1  }
0x150: {  	v1 =	vadd.f32 v2, v1;
	_ =	sdelay $0x1  }
0x151: {  	[tilespmem:s7+$0x16850] =	vst v1;
	v1 =	vld [tilespmem:s7+$0x16860]  }
0x152: {  	v2 =	vld.idx.msk [tilespmem:v0+s7+$0x5060 ss:$0x1], $0xffff;
	_ =	sdelay $0x3  }
0x153: {  	v1 =	vmul.f32 $1.131370830e+01, v1;
	_ =	sdelay $0x1  }
0x154: {  	v1 =	vadd.f32 v2, v1;
	_ =	sdelay $0x1  }
0x155: {  	[tilespmem:s7+$0x16860] =	vst v1;
	v1 =	vld [tilespmem:s7+$0x16870]  }
0x156: {  	v2 =	vld.idx.msk [tilespmem:v0+s7+$0x5070 ss:$0x1], $0xffff;
	_ =	sdelay $0x2  }
.Ltmp4:
0x157: {  	(pc) =	sbr.rel @p0 .LBB2_7-.Ltmp4, $3  }
0x158: {  	v1 =	vmul.f32 $1.131370830e+01, v1;
	_ =	sdelay $0x1  }
0x159: {  	v1 =	vadd.f32 v2, v1  }
0x15a: {  	s11 =	sshra.s32 s8, $0x2;
	s8 =	sadd.s32 $0x200, s8  }
0x15b: {  	_ =	sdelay $0x1  }
0x15c: {  	v2 =	vld [tilespmem:s11+$0x16800]  }
0x15d: {  	[tilespmem:s7+$0x16870] =	vst v1  }
0x15e: {  	v1 =	vld.idx.msk [tilespmem:v0+s11+$0x5000 ss:$0x1], $0xffff;
	_ =	sdelay $0x2  }
0x15f: {  	v2 =	vmul.f32 $1.131370830e+01, v2;
	_ =	sdelay $0x1  }
0x160: {  	v1 =	vadd.f32 v1, v2;
	_ =	sdelay $0x1  }
0x161: {  	[tilespmem:s11+$0x16800] =	vst v1;
	v1 =	vld [tilespmem:s11+$0x16810];
	_ =	sdelay $0x1  }
0x162: {  	v2 =	vld.idx.msk [tilespmem:v0+s11+$0x5010 ss:$0x1], $0xffff;
	_ =	sdelay $0x2  }
0x163: {  	v1 =	vmul.f32 $1.131370830e+01, v1;
	_ =	sdelay $0x1  }
0x164: {  	v1 =	vadd.f32 v2, v1;
	_ =	sdelay $0x1  }
0x165: {  	[tilespmem:s11+$0x16810] =	vst v1;
	v1 =	vld [tilespmem:s11+$0x16820];
	_ =	sdelay $0x1  }
0x166: {  	v2 =	vld.idx.msk [tilespmem:v0+s11+$0x5020 ss:$0x1], $0xffff;
	_ =	sdelay $0x2  }
0x167: {  	v1 =	vmul.f32 $1.131370830e+01, v1;
	_ =	sdelay $0x1  }
0x168: {  	v1 =	vadd.f32 v2, v1;
	_ =	sdelay $0x1  }
0x169: {  	[tilespmem:s11+$0x16820] =	vst v1;
	v1 =	vld [tilespmem:s11+$0x16830];
	_ =	sdelay $0x1  }
0x16a: {  	v2 =	vld.idx.msk [tilespmem:v0+s11+$0x5030 ss:$0x1], $0xffff;
	_ =	sdelay $0x2  }
0x16b: {  	v1 =	vmul.f32 $1.131370830e+01, v1;
	_ =	sdelay $0x1  }
0x16c: {  	v1 =	vadd.f32 v2, v1;
	_ =	sdelay $0x1  }
0x16d: {  	[tilespmem:s11+$0x16830] =	vst v1;
	v1 =	vld [tilespmem:s11+$0x16840];
	_ =	sdelay $0x1  }
0x16e: {  	v2 =	vld.idx.msk [tilespmem:v0+s11+$0x5040 ss:$0x1], $0xffff;
	_ =	sdelay $0x2  }
0x16f: {  	v1 =	vmul.f32 $1.131370830e+01, v1;
	_ =	sdelay $0x1  }
0x170: {  	v1 =	vadd.f32 v2, v1;
	_ =	sdelay $0x1  }
0x171: {  	[tilespmem:s11+$0x16840] =	vst v1;
	v1 =	vld [tilespmem:s11+$0x16850];
	_ =	sdelay $0x1  }
0x172: {  	v2 =	vld.idx.msk [tilespmem:v0+s11+$0x5050 ss:$0x1], $0xffff;
	_ =	sdelay $0x2  }
0x173: {  	v1 =	vmul.f32 $1.131370830e+01, v1;
	_ =	sdelay $0x1  }
0x174: {  	v1 =	vadd.f32 v2, v1;
	_ =	sdelay $0x1  }
0x175: {  	[tilespmem:s11+$0x16850] =	vst v1;
	v1 =	vld [tilespmem:s11+$0x16860];
	_ =	sdelay $0x1  }
0x176: {  	v2 =	vld.idx.msk [tilespmem:v0+s11+$0x5060 ss:$0x1], $0xffff;
	_ =	sdelay $0x2  }
0x177: {  	v1 =	vmul.f32 $1.131370830e+01, v1;
	_ =	sdelay $0x1  }
0x178: {  	v1 =	vadd.f32 v2, v1;
	_ =	sdelay $0x1  }
0x179: {  	[tilespmem:s11+$0x16860] =	vst v1;
	v1 =	vld [tilespmem:s11+$0x16870];
	_ =	sdelay $0x1  }
0x17a: {  	v0 =	vld.idx.msk [tilespmem:v0+s11+$0x5070 ss:$0x1], $0xffff;
	_ =	sdelay $0x2  }
0x17b: {  	v1 =	vmul.f32 $1.131370830e+01, v1  }
0x17c: {  	s3 =	sadd.s32 s6, s3  }
0x17d: {  	s3 =	smul.u32 $0x500, s3;
	v0 =	vadd.f32 v0, v1;
	_ =	sdelay $0x1  }
0x17e: {  	p0 =	seq.s32 s31, $0x4F;
	s3 =	sadd.s32 s4, s3;
	[tilespmem:s11+$0x16870] =	vst v0  }
0x17f: {  	[hbm4b:s3+s5] =	stream.linear.scatter [tilespmem:s15], [sflag:$0x7], $0x2800, $0x38;
	[tilespmem:$0x1B800] =	vst v63  }
0x180: {  	s3 =	simm.s32 @!p0 $0x5  }
0x181: {  	_ =	swait.ge @!p0 [sflag:s3], $0x2800  }
0x182: {  	s7 =	sshll.u32 @!p0 s31, $0x9;
	[sflag:s3] =	ssyncset.done @!p0 $0x0  }
0x183: {  	[sflag:s3] =	ssyncadd.s32 @!p0 $0xFFFFD800;
	s3 =	sand.u32 @!p0 $0x3FFFFE00, s7  }
0x184: {  	s8 =	simm.s32 @!p0 $0x11800;
	s7 =	simm.s32 @!p0 $0x50;
	s3 =	sadd.s32 @!p0 $0x200, s3  }
0x185: {  	[tilespmem:s8], [sflag:$0x1] =	stream.indirect.gather @!p0 [hbm4b:s1+s7], $0x80, s3, s7, $0xb8;
	[tilespmem:$0x1B800] =	vst v63  }
0x186: {  	v0 =	vmov s2;
	_ =	swait.ge [sflag:s19], $0x2800  }
0x187: {  	[sflag:s19] =	ssyncset.done $0x0  }
0x188: {  	s2 =	simm.s32 $0x0;
	[sflag:s19] =	ssyncadd.s32 $0xFFFFD800  }
0x189: {  	v1 =	vld [tilespmem:s2+$0x19000];
	_ =	sdelay $0x1  }
0x18a: {  	v2 =	vld.idx.msk [tilespmem:v0+s2+$0x7800 ss:$0x1], $0xffff;
	_ =	sdelay $0x2  }
0x18b: {  	v1 =	vmul.f32 $1.131370830e+01, v1;
	_ =	sdelay $0x1  }
0x18c: {  	v1 =	vadd.f32 v2, v1;
	_ =	sdelay $0x1  }
0x18d: {  	[tilespmem:s2+$0x19000] =	vst v1;
	v1 =	vld [tilespmem:s2+$0x19010];
	_ =	sdelay $0x1  }
0x18e: {  	v2 =	vld.idx.msk [tilespmem:v0+s2+$0x7810 ss:$0x1], $0xffff;
	_ =	sdelay $0x2  }
0x18f: {  	v1 =	vmul.f32 $1.131370830e+01, v1;
	_ =	sdelay $0x1  }
0x190: {  	v1 =	vadd.f32 v2, v1;
	_ =	sdelay $0x1  }
0x191: {  	[tilespmem:s2+$0x19010] =	vst v1;
	v1 =	vld [tilespmem:s2+$0x19020];
	_ =	sdelay $0x1  }
0x192: {  	v2 =	vld.idx.msk [tilespmem:v0+s2+$0x7820 ss:$0x1], $0xffff;
	_ =	sdelay $0x2  }
0x193: {  	v1 =	vmul.f32 $1.131370830e+01, v1;
	_ =	sdelay $0x1  }
0x194: {  	v1 =	vadd.f32 v2, v1;
	_ =	sdelay $0x1  }
0x195: {  	[tilespmem:s2+$0x19020] =	vst v1;
	v1 =	vld [tilespmem:s2+$0x19030];
	_ =	sdelay $0x1  }
0x196: {  	v2 =	vld.idx.msk [tilespmem:v0+s2+$0x7830 ss:$0x1], $0xffff;
	_ =	sdelay $0x2  }
0x197: {  	v1 =	vmul.f32 $1.131370830e+01, v1;
	_ =	sdelay $0x1  }
0x198: {  	v1 =	vadd.f32 v2, v1;
	_ =	sdelay $0x1  }
0x199: {  	[tilespmem:s2+$0x19030] =	vst v1;
	v1 =	vld [tilespmem:s2+$0x19040];
	_ =	sdelay $0x1  }
0x19a: {  	v2 =	vld.idx.msk [tilespmem:v0+s2+$0x7840 ss:$0x1], $0xffff;
	_ =	sdelay $0x2  }
0x19b: {  	v1 =	vmul.f32 $1.131370830e+01, v1;
	_ =	sdelay $0x1  }
0x19c: {  	v1 =	vadd.f32 v2, v1;
	_ =	sdelay $0x1  }
0x19d: {  	[tilespmem:s2+$0x19040] =	vst v1;
	v1 =	vld [tilespmem:s2+$0x19050];
	_ =	sdelay $0x1  }
0x19e: {  	v2 =	vld.idx.msk [tilespmem:v0+s2+$0x7850 ss:$0x1], $0xffff;
	_ =	sdelay $0x2  }
0x19f: {  	v1 =	vmul.f32 $1.131370830e+01, v1;
	_ =	sdelay $0x1  }
0x1a0: {  	v1 =	vadd.f32 v2, v1;
	_ =	sdelay $0x1  }
0x1a1: {  	[tilespmem:s2+$0x19050] =	vst v1;
	v1 =	vld [tilespmem:s2+$0x19060];
	_ =	sdelay $0x1  }
0x1a2: {  	v2 =	vld.idx.msk [tilespmem:v0+s2+$0x7860 ss:$0x1], $0xffff;
	_ =	sdelay $0x2  }
0x1a3: {  	v1 =	vmul.f32 $1.131370830e+01, v1;
	_ =	sdelay $0x1  }
0x1a4: {  	v1 =	vadd.f32 v2, v1;
	_ =	sdelay $0x1  }
0x1a5: {  	[tilespmem:s2+$0x19060] =	vst v1;
	v1 =	vld [tilespmem:s2+$0x19070];
	_ =	sdelay $0x1  }
0x1a6: {  	v2 =	vld.idx.msk [tilespmem:v0+s2+$0x7870 ss:$0x1], $0xffff;
	_ =	sdelay $0x2  }
0x1a7: {  	v1 =	vmul.f32 $1.131370830e+01, v1;
	_ =	sdelay $0x1  }
0x1a8: {  	v1 =	vadd.f32 v2, v1  }
0x1a9: {  	s7 =	simm.s32 $0x80;
	s3 =	simm.s32 $0x400  }
.LBB2_9:
0x1aa: {  	p1 =	sne.s32 s3, $0x9E00;
	v2 =	vld [tilespmem:s7+$0x19000];
	[tilespmem:s2+$0x19070] =	vst v1;
	s2 =	smov.u32 s7  }
0x1ab: {  	v1 =	vld.idx.msk [tilespmem:v0+s2+$0x7800 ss:$0x1], $0xffff;
	_ =	sdelay $0x3  }
0x1ac: {  	v2 =	vmul.f32 $1.131370830e+01, v2;
	_ =	sdelay $0x1  }
0x1ad: {  	v1 =	vadd.f32 v1, v2;
	_ =	sdelay $0x1  }
0x1ae: {  	[tilespmem:s2+$0x19000] =	vst v1;
	v1 =	vld [tilespmem:s2+$0x19010]  }
0x1af: {  	v2 =	vld.idx.msk [tilespmem:v0+s2+$0x7810 ss:$0x1], $0xffff;
	_ =	sdelay $0x3  }
0x1b0: {  	v1 =	vmul.f32 $1.131370830e+01, v1;
	_ =	sdelay $0x1  }
0x1b1: {  	v1 =	vadd.f32 v2, v1;
	_ =	sdelay $0x1  }
0x1b2: {  	[tilespmem:s2+$0x19010] =	vst v1;
	v1 =	vld [tilespmem:s2+$0x19020]  }
0x1b3: {  	v2 =	vld.idx.msk [tilespmem:v0+s2+$0x7820 ss:$0x1], $0xffff;
	_ =	sdelay $0x3  }
0x1b4: {  	v1 =	vmul.f32 $1.131370830e+01, v1;
	_ =	sdelay $0x1  }
0x1b5: {  	v1 =	vadd.f32 v2, v1;
	_ =	sdelay $0x1  }
0x1b6: {  	[tilespmem:s2+$0x19020] =	vst v1;
	v1 =	vld [tilespmem:s2+$0x19030]  }
0x1b7: {  	v2 =	vld.idx.msk [tilespmem:v0+s2+$0x7830 ss:$0x1], $0xffff;
	_ =	sdelay $0x3  }
0x1b8: {  	v1 =	vmul.f32 $1.131370830e+01, v1;
	_ =	sdelay $0x1  }
0x1b9: {  	v1 =	vadd.f32 v2, v1;
	_ =	sdelay $0x1  }
0x1ba: {  	[tilespmem:s2+$0x19030] =	vst v1;
	v1 =	vld [tilespmem:s2+$0x19040]  }
0x1bb: {  	v2 =	vld.idx.msk [tilespmem:v0+s2+$0x7840 ss:$0x1], $0xffff;
	_ =	sdelay $0x3  }
0x1bc: {  	v1 =	vmul.f32 $1.131370830e+01, v1;
	_ =	sdelay $0x1  }
0x1bd: {  	v1 =	vadd.f32 v2, v1;
	_ =	sdelay $0x1  }
0x1be: {  	[tilespmem:s2+$0x19040] =	vst v1;
	v1 =	vld [tilespmem:s2+$0x19050]  }
0x1bf: {  	v2 =	vld.idx.msk [tilespmem:v0+s2+$0x7850 ss:$0x1], $0xffff;
	_ =	sdelay $0x3  }
0x1c0: {  	v1 =	vmul.f32 $1.131370830e+01, v1;
	_ =	sdelay $0x1  }
0x1c1: {  	v1 =	vadd.f32 v2, v1;
	_ =	sdelay $0x1  }
0x1c2: {  	[tilespmem:s2+$0x19050] =	vst v1;
	v1 =	vld [tilespmem:s2+$0x19060]  }
0x1c3: {  	v2 =	vld.idx.msk [tilespmem:v0+s2+$0x7860 ss:$0x1], $0xffff;
	_ =	sdelay $0x3  }
0x1c4: {  	v1 =	vmul.f32 $1.131370830e+01, v1;
	_ =	sdelay $0x1  }
0x1c5: {  	v1 =	vadd.f32 v2, v1;
	_ =	sdelay $0x1  }
0x1c6: {  	[tilespmem:s2+$0x19060] =	vst v1;
	v1 =	vld [tilespmem:s2+$0x19070]  }
0x1c7: {  	v2 =	vld.idx.msk [tilespmem:v0+s2+$0x7870 ss:$0x1], $0xffff;
	_ =	sdelay $0x2  }
.Ltmp5:
0x1c8: {  	(pc) =	sbr.rel @p1 .LBB2_9-.Ltmp5, $3  }
0x1c9: {  	v1 =	vmul.f32 $1.131370830e+01, v1;
	_ =	sdelay $0x1  }
0x1ca: {  	v1 =	vadd.f32 v2, v1  }
0x1cb: {  	s7 =	sshra.s32 s3, $0x2;
	s3 =	sadd.s32 $0x200, s3  }
0x1cc: {  	_ =	sdelay $0x1  }
0x1cd: {  	v2 =	vld [tilespmem:s7+$0x19000]  }
0x1ce: {  	[tilespmem:s2+$0x19070] =	vst v1  }
0x1cf: {  	v1 =	vld.idx.msk [tilespmem:v0+s7+$0x7800 ss:$0x1], $0xffff;
	_ =	sdelay $0x2  }
0x1d0: {  	v2 =	vmul.f32 $1.131370830e+01, v2;
	_ =	sdelay $0x1  }
0x1d1: {  	v1 =	vadd.f32 v1, v2  }
0x1d2: {  	v50 =	vld [tilespmem:s7+$0x19010]  }
0x1d3: {  	[tilespmem:s7+$0x19000] =	vst v1  }
0x1d4: {  	v51 =	vld.idx.msk [tilespmem:v0+s7+$0x7810 ss:$0x1], $0xffff;
	_ =	sdelay $0x2  }
0x1d5: {  	v1 =	vmul.f32 $1.131370830e+01, v50;
	_ =	sdelay $0x1  }
0x1d6: {  	v1 =	vadd.f32 v51, v1  }
0x1d7: {  	v52 =	vld [tilespmem:s7+$0x19020]  }
0x1d8: {  	[tilespmem:s7+$0x19010] =	vst v1  }
0x1d9: {  	v53 =	vld.idx.msk [tilespmem:v0+s7+$0x7820 ss:$0x1], $0xffff;
	_ =	sdelay $0x2  }
0x1da: {  	v1 =	vmul.f32 $1.131370830e+01, v52;
	_ =	sdelay $0x1  }
0x1db: {  	v1 =	vadd.f32 v53, v1  }
0x1dc: {  	v54 =	vld [tilespmem:s7+$0x19030]  }
0x1dd: {  	[tilespmem:s7+$0x19020] =	vst v1  }
0x1de: {  	v55 =	vld.idx.msk [tilespmem:v0+s7+$0x7830 ss:$0x1], $0xffff;
	_ =	sdelay $0x2  }
0x1df: {  	v1 =	vmul.f32 $1.131370830e+01, v54;
	_ =	sdelay $0x1  }
0x1e0: {  	v1 =	vadd.f32 v55, v1  }
0x1e1: {  	v56 =	vld [tilespmem:s7+$0x19040]  }
0x1e2: {  	[tilespmem:s7+$0x19030] =	vst v1  }
0x1e3: {  	v57 =	vld.idx.msk [tilespmem:v0+s7+$0x7840 ss:$0x1], $0xffff;
	_ =	sdelay $0x2  }
0x1e4: {  	v1 =	vmul.f32 $1.131370830e+01, v56;
	_ =	sdelay $0x1  }
0x1e5: {  	v1 =	vadd.f32 v57, v1  }
0x1e6: {  	v58 =	vld [tilespmem:s7+$0x19050]  }
0x1e7: {  	[tilespmem:s7+$0x19040] =	vst v1  }
0x1e8: {  	v59 =	vld.idx.msk [tilespmem:v0+s7+$0x7850 ss:$0x1], $0xffff;
	_ =	sdelay $0x2  }
0x1e9: {  	v1 =	vmul.f32 $1.131370830e+01, v58;
	_ =	sdelay $0x1  }
0x1ea: {  	v1 =	vadd.f32 v59, v1  }
0x1eb: {  	v60 =	vld [tilespmem:s7+$0x19060]  }
0x1ec: {  	[tilespmem:s7+$0x19050] =	vst v1  }
0x1ed: {  	v61 =	vld.idx.msk [tilespmem:v0+s7+$0x7860 ss:$0x1], $0xffff;
	_ =	sdelay $0x2  }
0x1ee: {  	v1 =	vmul.f32 $1.131370830e+01, v60;
	_ =	sdelay $0x1  }
0x1ef: {  	v1 =	vadd.f32 v61, v1  }
0x1f0: {  	v62 =	vld [tilespmem:s7+$0x19070]  }
0x1f1: {  	[tilespmem:s7+$0x19060] =	vst v1  }
0x1f2: {  	v63 =	vld.idx.msk [tilespmem:v0+s7+$0x7870 ss:$0x1], $0xffff;
	_ =	sdelay $0x2  }
0x1f3: {  	v1 =	vmul.f32 $1.131370830e+01, v62  }
.Ltmp6:
0x1f4: {  	s0 =	sadd.s32 s6, s0;
	(pc) =	sbr.rel @p0 .LBB2_12-.Ltmp6, $3  }
0x1f5: {  	s0 =	smul.u32 $0x500, s0;
	v0 =	vadd.f32 v63, v1;
	_ =	sdelay $0x1  }
0x1f6: {  	s0 =	sadd.s32 s4, s0;
	[tilespmem:s7+$0x19070] =	vst v0  }
0x1f7: {  	[hbm4b:s0+s5] =	stream.linear.scatter [tilespmem:s17], [sflag:$0x8], $0x2800, $0x38;
	[tilespmem:$0x1B800] =	vst v63  }
0x1f8: {  	_ =	swait.ge [sflag:s21], $0x2800  }
.Ltmp7:
0x1f9: {  	s0 =	sshll.u32 s31, $0x9;
	s31 =	sadd.s32 $0x1, s31;
	(pc) =	sbr.rel .LBB2_2-.Ltmp7, $4  }
0x1fa: {  	s25 =	sadd.s32 $0xA000, s25;
	s30 =	sadd.s32 $0x140, s30;
	s29 =	sadd.s32 $0x140, s29  }
0x1fb: {  	s26 =	sadd.s32 $0x140, s26;
	[sflag:s21] =	ssyncset.done $0x0;
	s0 =	sand.u32 $0x3FFFFE00, s0  }
0x1fc: {  	s28 =	sadd.s32 $0x140, s28;
	[sflag:s21] =	ssyncadd.s32 $0xFFFFD800;
	s0 =	sadd.s32 $0x280, s0  }
0x1fd: {  	[tilespmem:s12], [sflag:$0x2] =	stream.indirect.gather [hbm4b:s1+s14], $0x80, s0, s14, $0xb8;
	[tilespmem:$0x1B800] =	vst v63  }
.LBB2_13:
0x1fe: {  	_ =	sfence.sel $0x180000  }
0x1ff: {  	[bflag:$0x0] =	sbarrier.arrive $0xFFFF  }
0x200: {  	_ =	strace $0x90000047  }
0x201: {  	s0 =	stileid.u32;
	[bflag:$0x2] =	sbarrier.arrive $0xFFFF  }
0x202: {  	p0 =	sne.s32 s0, $0x0;
	s0 =	rddreg [dreg:$0x4]  }
0x203: {  	s0 =	sadd.s32 @!p0 $0x100000, s0  }
0x204: {  	[sflag:s0] =	ssyncadd.tile.s32 @!p0 $0x1;
	_ =	shalt  }
.Lfunc_end2:
_tile_overlayer_lowered:
.L_overlay_start_2:
0x205: {  	(tag) =	ssettag $0x2  }
0x206: {  	s0 =	rddreg [dreg:$0x0];
	s2 =	stileid.u32  }
0x207: {  	s1 =	rddreg [dreg:$0x1];
	p0 =	sne.s32 s2, $0x0  }
0x208: {  	s3 =	rddreg [dreg:$0x2];
	[bflag:$0x3] =	sbarrier.arrive $0xFFFF;
	s2 =	simm.s32 @!p0 $0x1C09  }
0x209: {  	[timem:s3], [sflag:s2] =	dma.local @!p0 [hbm:s0], s1  }
0x20a: {  	s0 =	simm.s32 @!p0 $0x9  }
0x20b: {  	_ =	swait.ge @!p0 [sflag:s0], s1  }
0x20c: {  	s1 =	ssub.s32 @!p0 $0x0, s1;
	[sflag:s0] =	ssyncset.done @!p0 $0x0  }
0x20d: {  	[sflag:s0] =	ssyncadd.s32 @!p0 s1  }
0x20e: {  	[bflag:$0x3] =	sbarrier.arrive $0xFFFF  }
0x20f: {  	_ =	shalt  }

</sc_bundles>
